<compile_context>
chip_gen: v7x
topology: tpu7x:2x2x1
jax: 0.10.2.dev20260603
libtpu: 0.0.44.dev20260713+nightly
codegen_flags: <defaults>
</compile_context>

<pallas_src>
import functools

import jax
import jax.numpy as jnp
from jax import lax
from jax.experimental import pallas as pl
from jax.experimental.pallas import tpu as pltpu
from jax.experimental.pallas import tpu_sc as plsc

G_SEL = 50000
EMBED_DIM = 64
BATCH = 256
ROW_PAD = 128

NC, NS = 2, 16
NW = NC * NS
BK = 2048
K_PAD = 51200
BPW = K_PAD // NW
SUB = 100
NSUB = BPW // SUB
HALF = 2

_mesh = plsc.VectorSubcoreMesh(core_axis_name="c", subcore_axis_name="s")


@functools.partial(
    pl.kernel,
    mesh=_mesh,
    out_type=jax.ShapeDtypeStruct((K_PAD, ROW_PAD), jnp.float32),
    scratch_types=[
        pltpu.VMEM((NSUB, SUB), jnp.int32),
        pltpu.VMEM((BPW // HALF, ROW_PAD), jnp.float32),
        pltpu.SemaphoreType.DMA,
    ],
)
def _sc_gather(table_hbm, idx2_hbm, out_hbm, idx_v, rows_v, sem):
    wid = lax.axis_index("c") * NS + lax.axis_index("s")
    base = wid * BPW
    pltpu.sync_copy(idx2_hbm.at[pl.ds(wid * NSUB, NSUB)], idx_v)
    for h in range(HALF):
        copies = [
            pltpu.async_copy(
                table_hbm.at[idx_v.at[h * (NSUB // HALF) + j]],
                rows_v.at[pl.ds(j * SUB, SUB)],
                sem,
            )
            for j in range(NSUB // HALF)
        ]
        for c in copies:
            c.wait()
        dst = pl.ds(base + h * (BPW // HALF), BPW // HALF)
        pltpu.sync_copy(rows_v, out_hbm.at[dst])


BKV = 4096
NVB = 244
V_TAIL = NVB * BKV


def _pad_body(in_ref, o_ref):
    t = jnp.transpose(in_ref[...])
    o_ref[...] = jnp.concatenate([t, jnp.zeros_like(t)], axis=1)


def _pad_relayout(table_t, vocab):
    return pl.pallas_call(
        _pad_body,
        grid=(NVB,),
        in_specs=[pl.BlockSpec((EMBED_DIM, BKV), lambda k: (0, k))],
        out_specs=pl.BlockSpec((BKV, ROW_PAD), lambda k: (k, 0)),
        out_shape=jax.ShapeDtypeStruct((vocab, ROW_PAD), jnp.float32),
        compiler_params=pltpu.CompilerParams(
            dimension_semantics=("parallel",),
        ),
    )(table_t)


def _mm_body(g_ref, xt_ref, o_ref):
    k = pl.program_id(0)

    @pl.when(k == 0)
    def _():
        o_ref[...] = jnp.zeros_like(o_ref)

    row = k * BK + lax.broadcasted_iota(jnp.int32, (BK, 1), 0)
    xb = jnp.where(row < G_SEL, xt_ref[...], 0.0)
    gb = g_ref[...][:, :EMBED_DIM]
    o_ref[...] += lax.dot_general(
        gb, xb, (((0,), (0,)), ((), ())),
        preferred_element_type=jnp.float32,
    )


def _tc_matmul(g, xt):
    grid = K_PAD // BK
    return pl.pallas_call(
        _mm_body,
        grid=(grid,),
        in_specs=[
            pl.BlockSpec((BK, ROW_PAD), lambda k: (k, 0)),
            pl.BlockSpec((BK, BATCH), lambda k: (k, 0)),
        ],
        out_specs=pl.BlockSpec((EMBED_DIM, BATCH), lambda k: (0, 0)),
        out_shape=jax.ShapeDtypeStruct((EMBED_DIM, BATCH), jnp.float32),
        compiler_params=pltpu.CompilerParams(
            dimension_semantics=("arbitrary",),
        ),
    )(g, xt)


def kernel(x, gene_idx, gene_embeddings):
    vocab = gene_embeddings.shape[0]
    tbl = _pad_relayout(gene_embeddings.T, vocab)
    tail = jnp.pad(
        gene_embeddings[V_TAIL:, :], ((0, 0), (0, ROW_PAD - EMBED_DIM))
    )
    tbl = lax.dynamic_update_slice(tbl, tail, (V_TAIL, 0))
    idx_pad = jnp.concatenate(
        [gene_idx, jnp.zeros((K_PAD - G_SEL,), jnp.int32)]
    )
    idx2d = idx_pad.reshape(K_PAD // SUB, SUB)
    g = _sc_gather(tbl, idx2d)
    out_t = _tc_matmul(g, x.T)
    return out_t.T

# --- scband reference (transcript-rebuilt; emitter-appended) ---
"""Pipeline reference for scband-gene-encoder-21766894256656 (READ-ONLY COPY).

The authoritative reference and input builder live on the scoring server;
editing this copy changes nothing except your own understanding.
"""

import jax, jax.numpy as jnp
import numpy as np

VOCAB = 1000000
EMBED_DIM = 64
BATCH = 256
G_SEL = 50000

def setup_inputs(seed: int = 0) -> dict:
    key = jax.random.key(seed)
    k1, k2, k3 = jax.random.split(key, 3)
    x = jax.random.normal(k1, (BATCH, G_SEL), dtype=jnp.float32)
    gene_idx = jax.random.randint(k2, (G_SEL,), 0, VOCAB, dtype=jnp.int32)
    # use_pretrained=False -> xavier_uniform_ init of the table
    bound = float(np.sqrt(6.0 / (VOCAB + EMBED_DIM)))
    gene_embeddings = jax.random.uniform(k3, (VOCAB, EMBED_DIM), minval=-bound, maxval=bound, dtype=jnp.float32)
    return {"x": x, "gene_idx": gene_idx, "gene_embeddings": gene_embeddings}

def reference(x, gene_idx, gene_embeddings):
    # gene_embs = self.gene_embeddings[gene_idx]
    gene_embs = jnp.take(gene_embeddings, gene_idx, axis=0)
    # cell_embs = torch.matmul(x, gene_embs)
    cell_embs = jnp.matmul(x, gene_embs)
    return cell_embs

if __name__ == "__main__":
    import jax
    _d = setup_inputs()
    print(jax.jit(kernel)(*tuple(_d.values())))

</pallas_src>

<mosaic_0001>
#map = affine_map<(d0, d1) -> (0, 0)>
module attributes {stable_mosaic.version = 14 : i64} {
  func.func @_sc_gather(%arg0: i32, %arg1: i32, %arg2: memref<1000000x128xf32, #tpu.memory_space<hbm>>, %arg3: memref<512x100xi32, #tpu.memory_space<hbm>>, %arg4: memref<51200x128xf32, #tpu.memory_space<hbm>>, %arg5: memref<16x100xi32, #tpu.memory_space<vmem>>, %arg6: memref<800x128xf32, #tpu.memory_space<vmem>>, %arg7: memref<!tpu.dma_semaphore, #tpu.memory_space<semaphore_mem>>) attributes {dimension_semantics = [#tpu.dimension_semantics<core_parallel>, #tpu.dimension_semantics<subcore_parallel>], iteration_bounds = array<i64: 2, 16>, scalar_prefetch = 0 : i64, scratch_operands = 3 : i64, tpu.core_type = #tpu.core_type<sc_vector_subcore>, window_params = [{transform_indices = #map}, {transform_indices = #map}, {transform_indices = #map}]} {
    %mul3A = arith.constant 16 : i32
    %mul3A_0 = arith.muli %arg0, %mul3A : i32
    %add3A = arith.addi %mul3A_0, %arg1 : i32
    %mul3A_1 = arith.constant 1600 : i32
    %mul3A_2 = arith.muli %add3A, %mul3A_1 : i32
    %mul3A_3 = arith.constant 16 : i32
    %mul3A_4 = arith.muli %add3A, %mul3A_3 : i32
    "tpu.region"() ({
      %run_scoped3A = tpu.sem_alloc : memref<!tpu.dma_semaphore, #tpu.memory_space<semaphore_mem>>
      %dma_start3A_327 = arith.constant 0 : i32
      %dma_start3A_328 = tpu.memref_slice %arg3[%mul3A_4, %dma_start3A_327] : memref<512x100xi32, #tpu.memory_space<hbm>> -> memref<16x100xi32, #tpu.memory_space<hbm>>
      %dma_start3A_329 = arith.constant 0 : i32
      %dma_start3A_330 = tpu.memref_slice %arg3[%mul3A_4, %dma_start3A_329] : memref<512x100xi32, #tpu.memory_space<hbm>> -> memref<16x100xi32, #tpu.memory_space<hbm>>
      tpu.enqueue_dma source(%dma_start3A_330 : memref<16x100xi32, #tpu.memory_space<hbm>>) target(%arg5 : memref<16x100xi32, #tpu.memory_space<vmem>>) target_semaphore(%run_scoped3A : memref<!tpu.dma_semaphore, #tpu.memory_space<semaphore_mem>>)
      %dma_wait3A_331 = arith.constant 0 : i32
      %dma_wait3A_332 = tpu.memref_slice %arg3[%mul3A_4, %dma_wait3A_331] : memref<512x100xi32, #tpu.memory_space<hbm>> -> memref<16x100xi32, #tpu.memory_space<hbm>>
      %dma_wait3A_333 = arith.constant 0 : i32
      %dma_wait3A_334 = tpu.memref_slice %arg3[%mul3A_4, %dma_wait3A_333] : memref<512x100xi32, #tpu.memory_space<hbm>> -> memref<16x100xi32, #tpu.memory_space<hbm>>
      tpu.wait_dma2 semaphore(%run_scoped3A : memref<!tpu.dma_semaphore, #tpu.memory_space<semaphore_mem>>) src(%dma_wait3A_334 : memref<16x100xi32, #tpu.memory_space<hbm>>) dst(%arg5 : memref<16x100xi32, #tpu.memory_space<vmem>>)
      tpu.yield
    }) : () -> ()
    %dma_start3A = arith.constant 0 : i32
    %dma_start3A_5 = arith.constant 0 : i32
    %dma_start3A_6 = arith.constant 0 : i32
    %dma_start3A_7 = tpu.memref_slice %arg6[%dma_start3A_5, %dma_start3A_6] : memref<800x128xf32, #tpu.memory_space<vmem>> -> memref<100x128xf32, #tpu.memory_space<vmem>>
    %dma_start3A_8 = arith.constant 0 : i32
    %dma_start3A_9 = tpu.memref_slice %arg5[%dma_start3A, %dma_start3A_8] : memref<16x100xi32, #tpu.memory_space<vmem>> -> memref<1x100xi32, #tpu.memory_space<vmem>>
    %dma_start3A_10 = tpu.memref_squeeze %dma_start3A_9 : memref<1x100xi32, #tpu.memory_space<vmem>> -> memref<100xi32, #tpu.memory_space<vmem>>
    %dma_start3A_11 = arith.constant 0 : i32
    %dma_start3A_12 = arith.constant 0 : i32
    %dma_start3A_13 = tpu.memref_slice %arg2[%dma_start3A_11, %dma_start3A_12] : memref<1000000x128xf32, #tpu.memory_space<hbm>> -> memref<1000000x128xf32, #tpu.memory_space<hbm>>
    tpu.enqueue_indirect_dma source(%dma_start3A_13 : memref<1000000x128xf32, #tpu.memory_space<hbm>>) target(%dma_start3A_7 : memref<100x128xf32, #tpu.memory_space<vmem>>) offsets(%dma_start3A_10 : memref<100xi32, #tpu.memory_space<vmem>>) semaphore(%arg7 : memref<!tpu.dma_semaphore, #tpu.memory_space<semaphore_mem>>)
    %dma_start3A_14 = arith.constant 1 : i32
    %dma_start3A_15 = arith.constant 100 : i32
    %dma_start3A_16 = arith.constant 0 : i32
    %dma_start3A_17 = tpu.memref_slice %arg6[%dma_start3A_15, %dma_start3A_16] : memref<800x128xf32, #tpu.memory_space<vmem>> -> memref<100x128xf32, #tpu.memory_space<vmem>>
    %dma_start3A_18 = arith.constant 0 : i32
    %dma_start3A_19 = tpu.memref_slice %arg5[%dma_start3A_14, %dma_start3A_18] : memref<16x100xi32, #tpu.memory_space<vmem>> -> memref<1x100xi32, #tpu.memory_space<vmem>>
    %dma_start3A_20 = tpu.memref_squeeze %dma_start3A_19 : memref<1x100xi32, #tpu.memory_space<vmem>> -> memref<100xi32, #tpu.memory_space<vmem>>
    %dma_start3A_21 = arith.constant 0 : i32
    %dma_start3A_22 = arith.constant 0 : i32
    %dma_start3A_23 = tpu.memref_slice %arg2[%dma_start3A_21, %dma_start3A_22] : memref<1000000x128xf32, #tpu.memory_space<hbm>> -> memref<1000000x128xf32, #tpu.memory_space<hbm>>
    tpu.enqueue_indirect_dma source(%dma_start3A_23 : memref<1000000x128xf32, #tpu.memory_space<hbm>>) target(%dma_start3A_17 : memref<100x128xf32, #tpu.memory_space<vmem>>) offsets(%dma_start3A_20 : memref<100xi32, #tpu.memory_space<vmem>>) semaphore(%arg7 : memref<!tpu.dma_semaphore, #tpu.memory_space<semaphore_mem>>)
    %dma_start3A_24 = arith.constant 2 : i32
    %dma_start3A_25 = arith.constant 200 : i32
    %dma_start3A_26 = arith.constant 0 : i32
    %dma_start3A_27 = tpu.memref_slice %arg6[%dma_start3A_25, %dma_start3A_26] : memref<800x128xf32, #tpu.memory_space<vmem>> -> memref<100x128xf32, #tpu.memory_space<vmem>>
    %dma_start3A_28 = arith.constant 0 : i32
    %dma_start3A_29 = tpu.memref_slice %arg5[%dma_start3A_24, %dma_start3A_28] : memref<16x100xi32, #tpu.memory_space<vmem>> -> memref<1x100xi32, #tpu.memory_space<vmem>>
    %dma_start3A_30 = tpu.memref_squeeze %dma_start3A_29 : memref<1x100xi32, #tpu.memory_space<vmem>> -> memref<100xi32, #tpu.memory_space<vmem>>
    %dma_start3A_31 = arith.constant 0 : i32
    %dma_start3A_32 = arith.constant 0 : i32
    %dma_start3A_33 = tpu.memref_slice %arg2[%dma_start3A_31, %dma_start3A_32] : memref<1000000x128xf32, #tpu.memory_space<hbm>> -> memref<1000000x128xf32, #tpu.memory_space<hbm>>
    tpu.enqueue_indirect_dma source(%dma_start3A_33 : memref<1000000x128xf32, #tpu.memory_space<hbm>>) target(%dma_start3A_27 : memref<100x128xf32, #tpu.memory_space<vmem>>) offsets(%dma_start3A_30 : memref<100xi32, #tpu.memory_space<vmem>>) semaphore(%arg7 : memref<!tpu.dma_semaphore, #tpu.memory_space<semaphore_mem>>)
    %dma_start3A_34 = arith.constant 3 : i32
    %dma_start3A_35 = arith.constant 300 : i32
    %dma_start3A_36 = arith.constant 0 : i32
    %dma_start3A_37 = tpu.memref_slice %arg6[%dma_start3A_35, %dma_start3A_36] : memref<800x128xf32, #tpu.memory_space<vmem>> -> memref<100x128xf32, #tpu.memory_space<vmem>>
    %dma_start3A_38 = arith.constant 0 : i32
    %dma_start3A_39 = tpu.memref_slice %arg5[%dma_start3A_34, %dma_start3A_38] : memref<16x100xi32, #tpu.memory_space<vmem>> -> memref<1x100xi32, #tpu.memory_space<vmem>>
    %dma_start3A_40 = tpu.memref_squeeze %dma_start3A_39 : memref<1x100xi32, #tpu.memory_space<vmem>> -> memref<100xi32, #tpu.memory_space<vmem>>
    %dma_start3A_41 = arith.constant 0 : i32
    %dma_start3A_42 = arith.constant 0 : i32
    %dma_start3A_43 = tpu.memref_slice %arg2[%dma_start3A_41, %dma_start3A_42] : memref<1000000x128xf32, #tpu.memory_space<hbm>> -> memref<1000000x128xf32, #tpu.memory_space<hbm>>
    tpu.enqueue_indirect_dma source(%dma_start3A_43 : memref<1000000x128xf32, #tpu.memory_space<hbm>>) target(%dma_start3A_37 : memref<100x128xf32, #tpu.memory_space<vmem>>) offsets(%dma_start3A_40 : memref<100xi32, #tpu.memory_space<vmem>>) semaphore(%arg7 : memref<!tpu.dma_semaphore, #tpu.memory_space<semaphore_mem>>)
    %dma_start3A_44 = arith.constant 4 : i32
    %dma_start3A_45 = arith.constant 400 : i32
    %dma_start3A_46 = arith.constant 0 : i32
    %dma_start3A_47 = tpu.memref_slice %arg6[%dma_start3A_45, %dma_start3A_46] : memref<800x128xf32, #tpu.memory_space<vmem>> -> memref<100x128xf32, #tpu.memory_space<vmem>>
    %dma_start3A_48 = arith.constant 0 : i32
    %dma_start3A_49 = tpu.memref_slice %arg5[%dma_start3A_44, %dma_start3A_48] : memref<16x100xi32, #tpu.memory_space<vmem>> -> memref<1x100xi32, #tpu.memory_space<vmem>>
    %dma_start3A_50 = tpu.memref_squeeze %dma_start3A_49 : memref<1x100xi32, #tpu.memory_space<vmem>> -> memref<100xi32, #tpu.memory_space<vmem>>
    %dma_start3A_51 = arith.constant 0 : i32
    %dma_start3A_52 = arith.constant 0 : i32
    %dma_start3A_53 = tpu.memref_slice %arg2[%dma_start3A_51, %dma_start3A_52] : memref<1000000x128xf32, #tpu.memory_space<hbm>> -> memref<1000000x128xf32, #tpu.memory_space<hbm>>
    tpu.enqueue_indirect_dma source(%dma_start3A_53 : memref<1000000x128xf32, #tpu.memory_space<hbm>>) target(%dma_start3A_47 : memref<100x128xf32, #tpu.memory_space<vmem>>) offsets(%dma_start3A_50 : memref<100xi32, #tpu.memory_space<vmem>>) semaphore(%arg7 : memref<!tpu.dma_semaphore, #tpu.memory_space<semaphore_mem>>)
    %dma_start3A_54 = arith.constant 5 : i32
    %dma_start3A_55 = arith.constant 500 : i32
    %dma_start3A_56 = arith.constant 0 : i32
    %dma_start3A_57 = tpu.memref_slice %arg6[%dma_start3A_55, %dma_start3A_56] : memref<800x128xf32, #tpu.memory_space<vmem>> -> memref<100x128xf32, #tpu.memory_space<vmem>>
    %dma_start3A_58 = arith.constant 0 : i32
    %dma_start3A_59 = tpu.memref_slice %arg5[%dma_start3A_54, %dma_start3A_58] : memref<16x100xi32, #tpu.memory_space<vmem>> -> memref<1x100xi32, #tpu.memory_space<vmem>>
    %dma_start3A_60 = tpu.memref_squeeze %dma_start3A_59 : memref<1x100xi32, #tpu.memory_space<vmem>> -> memref<100xi32, #tpu.memory_space<vmem>>
    %dma_start3A_61 = arith.constant 0 : i32
    %dma_start3A_62 = arith.constant 0 : i32
    %dma_start3A_63 = tpu.memref_slice %arg2[%dma_start3A_61, %dma_start3A_62] : memref<1000000x128xf32, #tpu.memory_space<hbm>> -> memref<1000000x128xf32, #tpu.memory_space<hbm>>
    tpu.enqueue_indirect_dma source(%dma_start3A_63 : memref<1000000x128xf32, #tpu.memory_space<hbm>>) target(%dma_start3A_57 : memref<100x128xf32, #tpu.memory_space<vmem>>) offsets(%dma_start3A_60 : memref<100xi32, #tpu.memory_space<vmem>>) semaphore(%arg7 : memref<!tpu.dma_semaphore, #tpu.memory_space<semaphore_mem>>)
    %dma_start3A_64 = arith.constant 6 : i32
    %dma_start3A_65 = arith.constant 600 : i32
    %dma_start3A_66 = arith.constant 0 : i32
    %dma_start3A_67 = tpu.memref_slice %arg6[%dma_start3A_65, %dma_start3A_66] : memref<800x128xf32, #tpu.memory_space<vmem>> -> memref<100x128xf32, #tpu.memory_space<vmem>>
    %dma_start3A_68 = arith.constant 0 : i32
    %dma_start3A_69 = tpu.memref_slice %arg5[%dma_start3A_64, %dma_start3A_68] : memref<16x100xi32, #tpu.memory_space<vmem>> -> memref<1x100xi32, #tpu.memory_space<vmem>>
    %dma_start3A_70 = tpu.memref_squeeze %dma_start3A_69 : memref<1x100xi32, #tpu.memory_space<vmem>> -> memref<100xi32, #tpu.memory_space<vmem>>
    %dma_start3A_71 = arith.constant 0 : i32
    %dma_start3A_72 = arith.constant 0 : i32
    %dma_start3A_73 = tpu.memref_slice %arg2[%dma_start3A_71, %dma_start3A_72] : memref<1000000x128xf32, #tpu.memory_space<hbm>> -> memref<1000000x128xf32, #tpu.memory_space<hbm>>
    tpu.enqueue_indirect_dma source(%dma_start3A_73 : memref<1000000x128xf32, #tpu.memory_space<hbm>>) target(%dma_start3A_67 : memref<100x128xf32, #tpu.memory_space<vmem>>) offsets(%dma_start3A_70 : memref<100xi32, #tpu.memory_space<vmem>>) semaphore(%arg7 : memref<!tpu.dma_semaphore, #tpu.memory_space<semaphore_mem>>)
    %dma_start3A_74 = arith.constant 7 : i32
    %dma_start3A_75 = arith.constant 700 : i32
    %dma_start3A_76 = arith.constant 0 : i32
    %dma_start3A_77 = tpu.memref_slice %arg6[%dma_start3A_75, %dma_start3A_76] : memref<800x128xf32, #tpu.memory_space<vmem>> -> memref<100x128xf32, #tpu.memory_space<vmem>>
    %dma_start3A_78 = arith.constant 0 : i32
    %dma_start3A_79 = tpu.memref_slice %arg5[%dma_start3A_74, %dma_start3A_78] : memref<16x100xi32, #tpu.memory_space<vmem>> -> memref<1x100xi32, #tpu.memory_space<vmem>>
    %dma_start3A_80 = tpu.memref_squeeze %dma_start3A_79 : memref<1x100xi32, #tpu.memory_space<vmem>> -> memref<100xi32, #tpu.memory_space<vmem>>
    %dma_start3A_81 = arith.constant 0 : i32
    %dma_start3A_82 = arith.constant 0 : i32
    %dma_start3A_83 = tpu.memref_slice %arg2[%dma_start3A_81, %dma_start3A_82] : memref<1000000x128xf32, #tpu.memory_space<hbm>> -> memref<1000000x128xf32, #tpu.memory_space<hbm>>
    tpu.enqueue_indirect_dma source(%dma_start3A_83 : memref<1000000x128xf32, #tpu.memory_space<hbm>>) target(%dma_start3A_77 : memref<100x128xf32, #tpu.memory_space<vmem>>) offsets(%dma_start3A_80 : memref<100xi32, #tpu.memory_space<vmem>>) semaphore(%arg7 : memref<!tpu.dma_semaphore, #tpu.memory_space<semaphore_mem>>)
    %dma_wait3A = arith.constant 0 : i32
    %dma_wait3A_84 = arith.constant 0 : i32
    %dma_wait3A_85 = arith.constant 0 : i32
    %dma_wait3A_86 = tpu.memref_slice %arg6[%dma_wait3A_84, %dma_wait3A_85] : memref<800x128xf32, #tpu.memory_space<vmem>> -> memref<100x128xf32, #tpu.memory_space<vmem>>
    %dma_wait3A_87 = arith.constant 0 : i32
    %dma_wait3A_88 = tpu.memref_slice %arg5[%dma_wait3A, %dma_wait3A_87] : memref<16x100xi32, #tpu.memory_space<vmem>> -> memref<1x100xi32, #tpu.memory_space<vmem>>
    %dma_wait3A_89 = tpu.memref_squeeze %dma_wait3A_88 : memref<1x100xi32, #tpu.memory_space<vmem>> -> memref<100xi32, #tpu.memory_space<vmem>>
    %dma_wait3A_90 = arith.constant 0 : i32
    %dma_wait3A_91 = arith.constant 0 : i32
    %dma_wait3A_92 = tpu.memref_slice %arg2[%dma_wait3A_90, %dma_wait3A_91] : memref<1000000x128xf32, #tpu.memory_space<hbm>> -> memref<1000000x128xf32, #tpu.memory_space<hbm>>
    tpu.wait_indirect_dma semaphore(%arg7 : memref<!tpu.dma_semaphore, #tpu.memory_space<semaphore_mem>>) src(%dma_wait3A_92 : memref<1000000x128xf32, #tpu.memory_space<hbm>>) dst(%dma_wait3A_86 : memref<100x128xf32, #tpu.memory_space<vmem>>)
    %dma_wait3A_93 = arith.constant 1 : i32
    %dma_wait3A_94 = arith.constant 100 : i32
    %dma_wait3A_95 = arith.constant 0 : i32
    %dma_wait3A_96 = tpu.memref_slice %arg6[%dma_wait3A_94, %dma_wait3A_95] : memref<800x128xf32, #tpu.memory_space<vmem>> -> memref<100x128xf32, #tpu.memory_space<vmem>>
    %dma_wait3A_97 = arith.constant 0 : i32
    %dma_wait3A_98 = tpu.memref_slice %arg5[%dma_wait3A_93, %dma_wait3A_97] : memref<16x100xi32, #tpu.memory_space<vmem>> -> memref<1x100xi32, #tpu.memory_space<vmem>>
    %dma_wait3A_99 = tpu.memref_squeeze %dma_wait3A_98 : memref<1x100xi32, #tpu.memory_space<vmem>> -> memref<100xi32, #tpu.memory_space<vmem>>
    %dma_wait3A_100 = arith.constant 0 : i32
    %dma_wait3A_101 = arith.constant 0 : i32
    %dma_wait3A_102 = tpu.memref_slice %arg2[%dma_wait3A_100, %dma_wait3A_101] : memref<1000000x128xf32, #tpu.memory_space<hbm>> -> memref<1000000x128xf32, #tpu.memory_space<hbm>>
    tpu.wait_indirect_dma semaphore(%arg7 : memref<!tpu.dma_semaphore, #tpu.memory_space<semaphore_mem>>) src(%dma_wait3A_102 : memref<1000000x128xf32, #tpu.memory_space<hbm>>) dst(%dma_wait3A_96 : memref<100x128xf32, #tpu.memory_space<vmem>>)
    %dma_wait3A_103 = arith.constant 2 : i32
    %dma_wait3A_104 = arith.constant 200 : i32
    %dma_wait3A_105 = arith.constant 0 : i32
    %dma_wait3A_106 = tpu.memref_slice %arg6[%dma_wait3A_104, %dma_wait3A_105] : memref<800x128xf32, #tpu.memory_space<vmem>> -> memref<100x128xf32, #tpu.memory_space<vmem>>
    %dma_wait3A_107 = arith.constant 0 : i32
    %dma_wait3A_108 = tpu.memref_slice %arg5[%dma_wait3A_103, %dma_wait3A_107] : memref<16x100xi32, #tpu.memory_space<vmem>> -> memref<1x100xi32, #tpu.memory_space<vmem>>
    %dma_wait3A_109 = tpu.memref_squeeze %dma_wait3A_108 : memref<1x100xi32, #tpu.memory_space<vmem>> -> memref<100xi32, #tpu.memory_space<vmem>>
    %dma_wait3A_110 = arith.constant 0 : i32
    %dma_wait3A_111 = arith.constant 0 : i32
    %dma_wait3A_112 = tpu.memref_slice %arg2[%dma_wait3A_110, %dma_wait3A_111] : memref<1000000x128xf32, #tpu.memory_space<hbm>> -> memref<1000000x128xf32, #tpu.memory_space<hbm>>
    tpu.wait_indirect_dma semaphore(%arg7 : memref<!tpu.dma_semaphore, #tpu.memory_space<semaphore_mem>>) src(%dma_wait3A_112 : memref<1000000x128xf32, #tpu.memory_space<hbm>>) dst(%dma_wait3A_106 : memref<100x128xf32, #tpu.memory_space<vmem>>)
    %dma_wait3A_113 = arith.constant 3 : i32
    %dma_wait3A_114 = arith.constant 300 : i32
    %dma_wait3A_115 = arith.constant 0 : i32
    %dma_wait3A_116 = tpu.memref_slice %arg6[%dma_wait3A_114, %dma_wait3A_115] : memref<800x128xf32, #tpu.memory_space<vmem>> -> memref<100x128xf32, #tpu.memory_space<vmem>>
    %dma_wait3A_117 = arith.constant 0 : i32
    %dma_wait3A_118 = tpu.memref_slice %arg5[%dma_wait3A_113, %dma_wait3A_117] : memref<16x100xi32, #tpu.memory_space<vmem>> -> memref<1x100xi32, #tpu.memory_space<vmem>>
    %dma_wait3A_119 = tpu.memref_squeeze %dma_wait3A_118 : memref<1x100xi32, #tpu.memory_space<vmem>> -> memref<100xi32, #tpu.memory_space<vmem>>
    %dma_wait3A_120 = arith.constant 0 : i32
    %dma_wait3A_121 = arith.constant 0 : i32
    %dma_wait3A_122 = tpu.memref_slice %arg2[%dma_wait3A_120, %dma_wait3A_121] : memref<1000000x128xf32, #tpu.memory_space<hbm>> -> memref<1000000x128xf32, #tpu.memory_space<hbm>>
    tpu.wait_indirect_dma semaphore(%arg7 : memref<!tpu.dma_semaphore, #tpu.memory_space<semaphore_mem>>) src(%dma_wait3A_122 : memref<1000000x128xf32, #tpu.memory_space<hbm>>) dst(%dma_wait3A_116 : memref<100x128xf32, #tpu.memory_space<vmem>>)
    %dma_wait3A_123 = arith.constant 4 : i32
    %dma_wait3A_124 = arith.constant 400 : i32
    %dma_wait3A_125 = arith.constant 0 : i32
    %dma_wait3A_126 = tpu.memref_slice %arg6[%dma_wait3A_124, %dma_wait3A_125] : memref<800x128xf32, #tpu.memory_space<vmem>> -> memref<100x128xf32, #tpu.memory_space<vmem>>
    %dma_wait3A_127 = arith.constant 0 : i32
    %dma_wait3A_128 = tpu.memref_slice %arg5[%dma_wait3A_123, %dma_wait3A_127] : memref<16x100xi32, #tpu.memory_space<vmem>> -> memref<1x100xi32, #tpu.memory_space<vmem>>
    %dma_wait3A_129 = tpu.memref_squeeze %dma_wait3A_128 : memref<1x100xi32, #tpu.memory_space<vmem>> -> memref<100xi32, #tpu.memory_space<vmem>>
    %dma_wait3A_130 = arith.constant 0 : i32
    %dma_wait3A_131 = arith.constant 0 : i32
    %dma_wait3A_132 = tpu.memref_slice %arg2[%dma_wait3A_130, %dma_wait3A_131] : memref<1000000x128xf32, #tpu.memory_space<hbm>> -> memref<1000000x128xf32, #tpu.memory_space<hbm>>
    tpu.wait_indirect_dma semaphore(%arg7 : memref<!tpu.dma_semaphore, #tpu.memory_space<semaphore_mem>>) src(%dma_wait3A_132 : memref<1000000x128xf32, #tpu.memory_space<hbm>>) dst(%dma_wait3A_126 : memref<100x128xf32, #tpu.memory_space<vmem>>)
    %dma_wait3A_133 = arith.constant 5 : i32
    %dma_wait3A_134 = arith.constant 500 : i32
    %dma_wait3A_135 = arith.constant 0 : i32
    %dma_wait3A_136 = tpu.memref_slice %arg6[%dma_wait3A_134, %dma_wait3A_135] : memref<800x128xf32, #tpu.memory_space<vmem>> -> memref<100x128xf32, #tpu.memory_space<vmem>>
    %dma_wait3A_137 = arith.constant 0 : i32
    %dma_wait3A_138 = tpu.memref_slice %arg5[%dma_wait3A_133, %dma_wait3A_137] : memref<16x100xi32, #tpu.memory_space<vmem>> -> memref<1x100xi32, #tpu.memory_space<vmem>>
    %dma_wait3A_139 = tpu.memref_squeeze %dma_wait3A_138 : memref<1x100xi32, #tpu.memory_space<vmem>> -> memref<100xi32, #tpu.memory_space<vmem>>
    %dma_wait3A_140 = arith.constant 0 : i32
    %dma_wait3A_141 = arith.constant 0 : i32
    %dma_wait3A_142 = tpu.memref_slice %arg2[%dma_wait3A_140, %dma_wait3A_141] : memref<1000000x128xf32, #tpu.memory_space<hbm>> -> memref<1000000x128xf32, #tpu.memory_space<hbm>>
    tpu.wait_indirect_dma semaphore(%arg7 : memref<!tpu.dma_semaphore, #tpu.memory_space<semaphore_mem>>) src(%dma_wait3A_142 : memref<1000000x128xf32, #tpu.memory_space<hbm>>) dst(%dma_wait3A_136 : memref<100x128xf32, #tpu.memory_space<vmem>>)
    %dma_wait3A_143 = arith.constant 6 : i32
    %dma_wait3A_144 = arith.constant 600 : i32
    %dma_wait3A_145 = arith.constant 0 : i32
    %dma_wait3A_146 = tpu.memref_slice %arg6[%dma_wait3A_144, %dma_wait3A_145] : memref<800x128xf32, #tpu.memory_space<vmem>> -> memref<100x128xf32, #tpu.memory_space<vmem>>
    %dma_wait3A_147 = arith.constant 0 : i32
    %dma_wait3A_148 = tpu.memref_slice %arg5[%dma_wait3A_143, %dma_wait3A_147] : memref<16x100xi32, #tpu.memory_space<vmem>> -> memref<1x100xi32, #tpu.memory_space<vmem>>
    %dma_wait3A_149 = tpu.memref_squeeze %dma_wait3A_148 : memref<1x100xi32, #tpu.memory_space<vmem>> -> memref<100xi32, #tpu.memory_space<vmem>>
    %dma_wait3A_150 = arith.constant 0 : i32
    %dma_wait3A_151 = arith.constant 0 : i32
    %dma_wait3A_152 = tpu.memref_slice %arg2[%dma_wait3A_150, %dma_wait3A_151] : memref<1000000x128xf32, #tpu.memory_space<hbm>> -> memref<1000000x128xf32, #tpu.memory_space<hbm>>
    tpu.wait_indirect_dma semaphore(%arg7 : memref<!tpu.dma_semaphore, #tpu.memory_space<semaphore_mem>>) src(%dma_wait3A_152 : memref<1000000x128xf32, #tpu.memory_space<hbm>>) dst(%dma_wait3A_146 : memref<100x128xf32, #tpu.memory_space<vmem>>)
    %dma_wait3A_153 = arith.constant 7 : i32
    %dma_wait3A_154 = arith.constant 700 : i32
    %dma_wait3A_155 = arith.constant 0 : i32
    %dma_wait3A_156 = tpu.memref_slice %arg6[%dma_wait3A_154, %dma_wait3A_155] : memref<800x128xf32, #tpu.memory_space<vmem>> -> memref<100x128xf32, #tpu.memory_space<vmem>>
    %dma_wait3A_157 = arith.constant 0 : i32
    %dma_wait3A_158 = tpu.memref_slice %arg5[%dma_wait3A_153, %dma_wait3A_157] : memref<16x100xi32, #tpu.memory_space<vmem>> -> memref<1x100xi32, #tpu.memory_space<vmem>>
    %dma_wait3A_159 = tpu.memref_squeeze %dma_wait3A_158 : memref<1x100xi32, #tpu.memory_space<vmem>> -> memref<100xi32, #tpu.memory_space<vmem>>
    %dma_wait3A_160 = arith.constant 0 : i32
    %dma_wait3A_161 = arith.constant 0 : i32
    %dma_wait3A_162 = tpu.memref_slice %arg2[%dma_wait3A_160, %dma_wait3A_161] : memref<1000000x128xf32, #tpu.memory_space<hbm>> -> memref<1000000x128xf32, #tpu.memory_space<hbm>>
    tpu.wait_indirect_dma semaphore(%arg7 : memref<!tpu.dma_semaphore, #tpu.memory_space<semaphore_mem>>) src(%dma_wait3A_162 : memref<1000000x128xf32, #tpu.memory_space<hbm>>) dst(%dma_wait3A_156 : memref<100x128xf32, #tpu.memory_space<vmem>>)
    %add3A_163 = arith.constant 0 : i32
    %add3A_164 = arith.addi %mul3A_2, %add3A_163 : i32
    "tpu.region"() ({
      %run_scoped3A = tpu.sem_alloc : memref<!tpu.dma_semaphore, #tpu.memory_space<semaphore_mem>>
      %dma_start3A_327 = arith.constant 0 : i32
      %dma_start3A_328 = tpu.memref_slice %arg4[%add3A_164, %dma_start3A_327] : memref<51200x128xf32, #tpu.memory_space<hbm>> -> memref<800x128xf32, #tpu.memory_space<hbm>>
      %dma_start3A_329 = arith.constant 0 : i32
      %dma_start3A_330 = tpu.memref_slice %arg4[%add3A_164, %dma_start3A_329] : memref<51200x128xf32, #tpu.memory_space<hbm>> -> memref<800x128xf32, #tpu.memory_space<hbm>>
      tpu.enqueue_dma source(%arg6 : memref<800x128xf32, #tpu.memory_space<vmem>>) target(%dma_start3A_330 : memref<800x128xf32, #tpu.memory_space<hbm>>) target_semaphore(%run_scoped3A : memref<!tpu.dma_semaphore, #tpu.memory_space<semaphore_mem>>)
      %dma_wait3A_331 = arith.constant 0 : i32
      %dma_wait3A_332 = tpu.memref_slice %arg4[%add3A_164, %dma_wait3A_331] : memref<51200x128xf32, #tpu.memory_space<hbm>> -> memref<800x128xf32, #tpu.memory_space<hbm>>
      %dma_wait3A_333 = arith.constant 0 : i32
      %dma_wait3A_334 = tpu.memref_slice %arg4[%add3A_164, %dma_wait3A_333] : memref<51200x128xf32, #tpu.memory_space<hbm>> -> memref<800x128xf32, #tpu.memory_space<hbm>>
      tpu.wait_dma2 semaphore(%run_scoped3A : memref<!tpu.dma_semaphore, #tpu.memory_space<semaphore_mem>>) src(%arg6 : memref<800x128xf32, #tpu.memory_space<vmem>>) dst(%dma_wait3A_334 : memref<800x128xf32, #tpu.memory_space<hbm>>)
      tpu.yield
    }) : () -> ()
    %dma_start3A_165 = arith.constant 8 : i32
    %dma_start3A_166 = arith.constant 0 : i32
    %dma_start3A_167 = arith.constant 0 : i32
    %dma_start3A_168 = tpu.memref_slice %arg6[%dma_start3A_166, %dma_start3A_167] : memref<800x128xf32, #tpu.memory_space<vmem>> -> memref<100x128xf32, #tpu.memory_space<vmem>>
    %dma_start3A_169 = arith.constant 0 : i32
    %dma_start3A_170 = tpu.memref_slice %arg5[%dma_start3A_165, %dma_start3A_169] : memref<16x100xi32, #tpu.memory_space<vmem>> -> memref<1x100xi32, #tpu.memory_space<vmem>>
    %dma_start3A_171 = tpu.memref_squeeze %dma_start3A_170 : memref<1x100xi32, #tpu.memory_space<vmem>> -> memref<100xi32, #tpu.memory_space<vmem>>
    %dma_start3A_172 = arith.constant 0 : i32
    %dma_start3A_173 = arith.constant 0 : i32
    %dma_start3A_174 = tpu.memref_slice %arg2[%dma_start3A_172, %dma_start3A_173] : memref<1000000x128xf32, #tpu.memory_space<hbm>> -> memref<1000000x128xf32, #tpu.memory_space<hbm>>
    tpu.enqueue_indirect_dma source(%dma_start3A_174 : memref<1000000x128xf32, #tpu.memory_space<hbm>>) target(%dma_start3A_168 : memref<100x128xf32, #tpu.memory_space<vmem>>) offsets(%dma_start3A_171 : memref<100xi32, #tpu.memory_space<vmem>>) semaphore(%arg7 : memref<!tpu.dma_semaphore, #tpu.memory_space<semaphore_mem>>)
    %dma_start3A_175 = arith.constant 9 : i32
    %dma_start3A_176 = arith.constant 100 : i32
    %dma_start3A_177 = arith.constant 0 : i32
    %dma_start3A_178 = tpu.memref_slice %arg6[%dma_start3A_176, %dma_start3A_177] : memref<800x128xf32, #tpu.memory_space<vmem>> -> memref<100x128xf32, #tpu.memory_space<vmem>>
    %dma_start3A_179 = arith.constant 0 : i32
    %dma_start3A_180 = tpu.memref_slice %arg5[%dma_start3A_175, %dma_start3A_179] : memref<16x100xi32, #tpu.memory_space<vmem>> -> memref<1x100xi32, #tpu.memory_space<vmem>>
    %dma_start3A_181 = tpu.memref_squeeze %dma_start3A_180 : memref<1x100xi32, #tpu.memory_space<vmem>> -> memref<100xi32, #tpu.memory_space<vmem>>
    %dma_start3A_182 = arith.constant 0 : i32
    %dma_start3A_183 = arith.constant 0 : i32
    %dma_start3A_184 = tpu.memref_slice %arg2[%dma_start3A_182, %dma_start3A_183] : memref<1000000x128xf32, #tpu.memory_space<hbm>> -> memref<1000000x128xf32, #tpu.memory_space<hbm>>
    tpu.enqueue_indirect_dma source(%dma_start3A_184 : memref<1000000x128xf32, #tpu.memory_space<hbm>>) target(%dma_start3A_178 : memref<100x128xf32, #tpu.memory_space<vmem>>) offsets(%dma_start3A_181 : memref<100xi32, #tpu.memory_space<vmem>>) semaphore(%arg7 : memref<!tpu.dma_semaphore, #tpu.memory_space<semaphore_mem>>)
    %dma_start3A_185 = arith.constant 10 : i32
    %dma_start3A_186 = arith.constant 200 : i32
    %dma_start3A_187 = arith.constant 0 : i32
    %dma_start3A_188 = tpu.memref_slice %arg6[%dma_start3A_186, %dma_start3A_187] : memref<800x128xf32, #tpu.memory_space<vmem>> -> memref<100x128xf32, #tpu.memory_space<vmem>>
    %dma_start3A_189 = arith.constant 0 : i32
    %dma_start3A_190 = tpu.memref_slice %arg5[%dma_start3A_185, %dma_start3A_189] : memref<16x100xi32, #tpu.memory_space<vmem>> -> memref<1x100xi32, #tpu.memory_space<vmem>>
    %dma_start3A_191 = tpu.memref_squeeze %dma_start3A_190 : memref<1x100xi32, #tpu.memory_space<vmem>> -> memref<100xi32, #tpu.memory_space<vmem>>
    %dma_start3A_192 = arith.constant 0 : i32
    %dma_start3A_193 = arith.constant 0 : i32
    %dma_start3A_194 = tpu.memref_slice %arg2[%dma_start3A_192, %dma_start3A_193] : memref<1000000x128xf32, #tpu.memory_space<hbm>> -> memref<1000000x128xf32, #tpu.memory_space<hbm>>
    tpu.enqueue_indirect_dma source(%dma_start3A_194 : memref<1000000x128xf32, #tpu.memory_space<hbm>>) target(%dma_start3A_188 : memref<100x128xf32, #tpu.memory_space<vmem>>) offsets(%dma_start3A_191 : memref<100xi32, #tpu.memory_space<vmem>>) semaphore(%arg7 : memref<!tpu.dma_semaphore, #tpu.memory_space<semaphore_mem>>)
    %dma_start3A_195 = arith.constant 11 : i32
    %dma_start3A_196 = arith.constant 300 : i32
    %dma_start3A_197 = arith.constant 0 : i32
    %dma_start3A_198 = tpu.memref_slice %arg6[%dma_start3A_196, %dma_start3A_197] : memref<800x128xf32, #tpu.memory_space<vmem>> -> memref<100x128xf32, #tpu.memory_space<vmem>>
    %dma_start3A_199 = arith.constant 0 : i32
    %dma_start3A_200 = tpu.memref_slice %arg5[%dma_start3A_195, %dma_start3A_199] : memref<16x100xi32, #tpu.memory_space<vmem>> -> memref<1x100xi32, #tpu.memory_space<vmem>>
    %dma_start3A_201 = tpu.memref_squeeze %dma_start3A_200 : memref<1x100xi32, #tpu.memory_space<vmem>> -> memref<100xi32, #tpu.memory_space<vmem>>
    %dma_start3A_202 = arith.constant 0 : i32
    %dma_start3A_203 = arith.constant 0 : i32
    %dma_start3A_204 = tpu.memref_slice %arg2[%dma_start3A_202, %dma_start3A_203] : memref<1000000x128xf32, #tpu.memory_space<hbm>> -> memref<1000000x128xf32, #tpu.memory_space<hbm>>
    tpu.enqueue_indirect_dma source(%dma_start3A_204 : memref<1000000x128xf32, #tpu.memory_space<hbm>>) target(%dma_start3A_198 : memref<100x128xf32, #tpu.memory_space<vmem>>) offsets(%dma_start3A_201 : memref<100xi32, #tpu.memory_space<vmem>>) semaphore(%arg7 : memref<!tpu.dma_semaphore, #tpu.memory_space<semaphore_mem>>)
    %dma_start3A_205 = arith.constant 12 : i32
    %dma_start3A_206 = arith.constant 400 : i32
    %dma_start3A_207 = arith.constant 0 : i32
    %dma_start3A_208 = tpu.memref_slice %arg6[%dma_start3A_206, %dma_start3A_207] : memref<800x128xf32, #tpu.memory_space<vmem>> -> memref<100x128xf32, #tpu.memory_space<vmem>>
    %dma_start3A_209 = arith.constant 0 : i32
    %dma_start3A_210 = tpu.memref_slice %arg5[%dma_start3A_205, %dma_start3A_209] : memref<16x100xi32, #tpu.memory_space<vmem>> -> memref<1x100xi32, #tpu.memory_space<vmem>>
    %dma_start3A_211 = tpu.memref_squeeze %dma_start3A_210 : memref<1x100xi32, #tpu.memory_space<vmem>> -> memref<100xi32, #tpu.memory_space<vmem>>
    %dma_start3A_212 = arith.constant 0 : i32
    %dma_start3A_213 = arith.constant 0 : i32
    %dma_start3A_214 = tpu.memref_slice %arg2[%dma_start3A_212, %dma_start3A_213] : memref<1000000x128xf32, #tpu.memory_space<hbm>> -> memref<1000000x128xf32, #tpu.memory_space<hbm>>
    tpu.enqueue_indirect_dma source(%dma_start3A_214 : memref<1000000x128xf32, #tpu.memory_space<hbm>>) target(%dma_start3A_208 : memref<100x128xf32, #tpu.memory_space<vmem>>) offsets(%dma_start3A_211 : memref<100xi32, #tpu.memory_space<vmem>>) semaphore(%arg7 : memref<!tpu.dma_semaphore, #tpu.memory_space<semaphore_mem>>)
    %dma_start3A_215 = arith.constant 13 : i32
    %dma_start3A_216 = arith.constant 500 : i32
    %dma_start3A_217 = arith.constant 0 : i32
    %dma_start3A_218 = tpu.memref_slice %arg6[%dma_start3A_216, %dma_start3A_217] : memref<800x128xf32, #tpu.memory_space<vmem>> -> memref<100x128xf32, #tpu.memory_space<vmem>>
    %dma_start3A_219 = arith.constant 0 : i32
    %dma_start3A_220 = tpu.memref_slice %arg5[%dma_start3A_215, %dma_start3A_219] : memref<16x100xi32, #tpu.memory_space<vmem>> -> memref<1x100xi32, #tpu.memory_space<vmem>>
    %dma_start3A_221 = tpu.memref_squeeze %dma_start3A_220 : memref<1x100xi32, #tpu.memory_space<vmem>> -> memref<100xi32, #tpu.memory_space<vmem>>
    %dma_start3A_222 = arith.constant 0 : i32
    %dma_start3A_223 = arith.constant 0 : i32
    %dma_start3A_224 = tpu.memref_slice %arg2[%dma_start3A_222, %dma_start3A_223] : memref<1000000x128xf32, #tpu.memory_space<hbm>> -> memref<1000000x128xf32, #tpu.memory_space<hbm>>
    tpu.enqueue_indirect_dma source(%dma_start3A_224 : memref<1000000x128xf32, #tpu.memory_space<hbm>>) target(%dma_start3A_218 : memref<100x128xf32, #tpu.memory_space<vmem>>) offsets(%dma_start3A_221 : memref<100xi32, #tpu.memory_space<vmem>>) semaphore(%arg7 : memref<!tpu.dma_semaphore, #tpu.memory_space<semaphore_mem>>)
    %dma_start3A_225 = arith.constant 14 : i32
    %dma_start3A_226 = arith.constant 600 : i32
    %dma_start3A_227 = arith.constant 0 : i32
    %dma_start3A_228 = tpu.memref_slice %arg6[%dma_start3A_226, %dma_start3A_227] : memref<800x128xf32, #tpu.memory_space<vmem>> -> memref<100x128xf32, #tpu.memory_space<vmem>>
    %dma_start3A_229 = arith.constant 0 : i32
    %dma_start3A_230 = tpu.memref_slice %arg5[%dma_start3A_225, %dma_start3A_229] : memref<16x100xi32, #tpu.memory_space<vmem>> -> memref<1x100xi32, #tpu.memory_space<vmem>>
    %dma_start3A_231 = tpu.memref_squeeze %dma_start3A_230 : memref<1x100xi32, #tpu.memory_space<vmem>> -> memref<100xi32, #tpu.memory_space<vmem>>
    %dma_start3A_232 = arith.constant 0 : i32
    %dma_start3A_233 = arith.constant 0 : i32
    %dma_start3A_234 = tpu.memref_slice %arg2[%dma_start3A_232, %dma_start3A_233] : memref<1000000x128xf32, #tpu.memory_space<hbm>> -> memref<1000000x128xf32, #tpu.memory_space<hbm>>
    tpu.enqueue_indirect_dma source(%dma_start3A_234 : memref<1000000x128xf32, #tpu.memory_space<hbm>>) target(%dma_start3A_228 : memref<100x128xf32, #tpu.memory_space<vmem>>) offsets(%dma_start3A_231 : memref<100xi32, #tpu.memory_space<vmem>>) semaphore(%arg7 : memref<!tpu.dma_semaphore, #tpu.memory_space<semaphore_mem>>)
    %dma_start3A_235 = arith.constant 15 : i32
    %dma_start3A_236 = arith.constant 700 : i32
    %dma_start3A_237 = arith.constant 0 : i32
    %dma_start3A_238 = tpu.memref_slice %arg6[%dma_start3A_236, %dma_start3A_237] : memref<800x128xf32, #tpu.memory_space<vmem>> -> memref<100x128xf32, #tpu.memory_space<vmem>>
    %dma_start3A_239 = arith.constant 0 : i32
    %dma_start3A_240 = tpu.memref_slice %arg5[%dma_start3A_235, %dma_start3A_239] : memref<16x100xi32, #tpu.memory_space<vmem>> -> memref<1x100xi32, #tpu.memory_space<vmem>>
    %dma_start3A_241 = tpu.memref_squeeze %dma_start3A_240 : memref<1x100xi32, #tpu.memory_space<vmem>> -> memref<100xi32, #tpu.memory_space<vmem>>
    %dma_start3A_242 = arith.constant 0 : i32
    %dma_start3A_243 = arith.constant 0 : i32
    %dma_start3A_244 = tpu.memref_slice %arg2[%dma_start3A_242, %dma_start3A_243] : memref<1000000x128xf32, #tpu.memory_space<hbm>> -> memref<1000000x128xf32, #tpu.memory_space<hbm>>
    tpu.enqueue_indirect_dma source(%dma_start3A_244 : memref<1000000x128xf32, #tpu.memory_space<hbm>>) target(%dma_start3A_238 : memref<100x128xf32, #tpu.memory_space<vmem>>) offsets(%dma_start3A_241 : memref<100xi32, #tpu.memory_space<vmem>>) semaphore(%arg7 : memref<!tpu.dma_semaphore, #tpu.memory_space<semaphore_mem>>)
    %dma_wait3A_245 = arith.constant 8 : i32
    %dma_wait3A_246 = arith.constant 0 : i32
    %dma_wait3A_247 = arith.constant 0 : i32
    %dma_wait3A_248 = tpu.memref_slice %arg6[%dma_wait3A_246, %dma_wait3A_247] : memref<800x128xf32, #tpu.memory_space<vmem>> -> memref<100x128xf32, #tpu.memory_space<vmem>>
    %dma_wait3A_249 = arith.constant 0 : i32
    %dma_wait3A_250 = tpu.memref_slice %arg5[%dma_wait3A_245, %dma_wait3A_249] : memref<16x100xi32, #tpu.memory_space<vmem>> -> memref<1x100xi32, #tpu.memory_space<vmem>>
    %dma_wait3A_251 = tpu.memref_squeeze %dma_wait3A_250 : memref<1x100xi32, #tpu.memory_space<vmem>> -> memref<100xi32, #tpu.memory_space<vmem>>
    %dma_wait3A_252 = arith.constant 0 : i32
    %dma_wait3A_253 = arith.constant 0 : i32
    %dma_wait3A_254 = tpu.memref_slice %arg2[%dma_wait3A_252, %dma_wait3A_253] : memref<1000000x128xf32, #tpu.memory_space<hbm>> -> memref<1000000x128xf32, #tpu.memory_space<hbm>>
    tpu.wait_indirect_dma semaphore(%arg7 : memref<!tpu.dma_semaphore, #tpu.memory_space<semaphore_mem>>) src(%dma_wait3A_254 : memref<1000000x128xf32, #tpu.memory_space<hbm>>) dst(%dma_wait3A_248 : memref<100x128xf32, #tpu.memory_space<vmem>>)
    %dma_wait3A_255 = arith.constant 9 : i32
    %dma_wait3A_256 = arith.constant 100 : i32
    %dma_wait3A_257 = arith.constant 0 : i32
    %dma_wait3A_258 = tpu.memref_slice %arg6[%dma_wait3A_256, %dma_wait3A_257] : memref<800x128xf32, #tpu.memory_space<vmem>> -> memref<100x128xf32, #tpu.memory_space<vmem>>
    %dma_wait3A_259 = arith.constant 0 : i32
    %dma_wait3A_260 = tpu.memref_slice %arg5[%dma_wait3A_255, %dma_wait3A_259] : memref<16x100xi32, #tpu.memory_space<vmem>> -> memref<1x100xi32, #tpu.memory_space<vmem>>
    %dma_wait3A_261 = tpu.memref_squeeze %dma_wait3A_260 : memref<1x100xi32, #tpu.memory_space<vmem>> -> memref<100xi32, #tpu.memory_space<vmem>>
    %dma_wait3A_262 = arith.constant 0 : i32
    %dma_wait3A_263 = arith.constant 0 : i32
    %dma_wait3A_264 = tpu.memref_slice %arg2[%dma_wait3A_262, %dma_wait3A_263] : memref<1000000x128xf32, #tpu.memory_space<hbm>> -> memref<1000000x128xf32, #tpu.memory_space<hbm>>
    tpu.wait_indirect_dma semaphore(%arg7 : memref<!tpu.dma_semaphore, #tpu.memory_space<semaphore_mem>>) src(%dma_wait3A_264 : memref<1000000x128xf32, #tpu.memory_space<hbm>>) dst(%dma_wait3A_258 : memref<100x128xf32, #tpu.memory_space<vmem>>)
    %dma_wait3A_265 = arith.constant 10 : i32
    %dma_wait3A_266 = arith.constant 200 : i32
    %dma_wait3A_267 = arith.constant 0 : i32
    %dma_wait3A_268 = tpu.memref_slice %arg6[%dma_wait3A_266, %dma_wait3A_267] : memref<800x128xf32, #tpu.memory_space<vmem>> -> memref<100x128xf32, #tpu.memory_space<vmem>>
    %dma_wait3A_269 = arith.constant 0 : i32
    %dma_wait3A_270 = tpu.memref_slice %arg5[%dma_wait3A_265, %dma_wait3A_269] : memref<16x100xi32, #tpu.memory_space<vmem>> -> memref<1x100xi32, #tpu.memory_space<vmem>>
    %dma_wait3A_271 = tpu.memref_squeeze %dma_wait3A_270 : memref<1x100xi32, #tpu.memory_space<vmem>> -> memref<100xi32, #tpu.memory_space<vmem>>
    %dma_wait3A_272 = arith.constant 0 : i32
    %dma_wait3A_273 = arith.constant 0 : i32
    %dma_wait3A_274 = tpu.memref_slice %arg2[%dma_wait3A_272, %dma_wait3A_273] : memref<1000000x128xf32, #tpu.memory_space<hbm>> -> memref<1000000x128xf32, #tpu.memory_space<hbm>>
    tpu.wait_indirect_dma semaphore(%arg7 : memref<!tpu.dma_semaphore, #tpu.memory_space<semaphore_mem>>) src(%dma_wait3A_274 : memref<1000000x128xf32, #tpu.memory_space<hbm>>) dst(%dma_wait3A_268 : memref<100x128xf32, #tpu.memory_space<vmem>>)
    %dma_wait3A_275 = arith.constant 11 : i32
    %dma_wait3A_276 = arith.constant 300 : i32
    %dma_wait3A_277 = arith.constant 0 : i32
    %dma_wait3A_278 = tpu.memref_slice %arg6[%dma_wait3A_276, %dma_wait3A_277] : memref<800x128xf32, #tpu.memory_space<vmem>> -> memref<100x128xf32, #tpu.memory_space<vmem>>
    %dma_wait3A_279 = arith.constant 0 : i32
    %dma_wait3A_280 = tpu.memref_slice %arg5[%dma_wait3A_275, %dma_wait3A_279] : memref<16x100xi32, #tpu.memory_space<vmem>> -> memref<1x100xi32, #tpu.memory_space<vmem>>
    %dma_wait3A_281 = tpu.memref_squeeze %dma_wait3A_280 : memref<1x100xi32, #tpu.memory_space<vmem>> -> memref<100xi32, #tpu.memory_space<vmem>>
    %dma_wait3A_282 = arith.constant 0 : i32
    %dma_wait3A_283 = arith.constant 0 : i32
    %dma_wait3A_284 = tpu.memref_slice %arg2[%dma_wait3A_282, %dma_wait3A_283] : memref<1000000x128xf32, #tpu.memory_space<hbm>> -> memref<1000000x128xf32, #tpu.memory_space<hbm>>
    tpu.wait_indirect_dma semaphore(%arg7 : memref<!tpu.dma_semaphore, #tpu.memory_space<semaphore_mem>>) src(%dma_wait3A_284 : memref<1000000x128xf32, #tpu.memory_space<hbm>>) dst(%dma_wait3A_278 : memref<100x128xf32, #tpu.memory_space<vmem>>)
    %dma_wait3A_285 = arith.constant 12 : i32
    %dma_wait3A_286 = arith.constant 400 : i32
    %dma_wait3A_287 = arith.constant 0 : i32
    %dma_wait3A_288 = tpu.memref_slice %arg6[%dma_wait3A_286, %dma_wait3A_287] : memref<800x128xf32, #tpu.memory_space<vmem>> -> memref<100x128xf32, #tpu.memory_space<vmem>>
    %dma_wait3A_289 = arith.constant 0 : i32
    %dma_wait3A_290 = tpu.memref_slice %arg5[%dma_wait3A_285, %dma_wait3A_289] : memref<16x100xi32, #tpu.memory_space<vmem>> -> memref<1x100xi32, #tpu.memory_space<vmem>>
    %dma_wait3A_291 = tpu.memref_squeeze %dma_wait3A_290 : memref<1x100xi32, #tpu.memory_space<vmem>> -> memref<100xi32, #tpu.memory_space<vmem>>
    %dma_wait3A_292 = arith.constant 0 : i32
    %dma_wait3A_293 = arith.constant 0 : i32
    %dma_wait3A_294 = tpu.memref_slice %arg2[%dma_wait3A_292, %dma_wait3A_293] : memref<1000000x128xf32, #tpu.memory_space<hbm>> -> memref<1000000x128xf32, #tpu.memory_space<hbm>>
    tpu.wait_indirect_dma semaphore(%arg7 : memref<!tpu.dma_semaphore, #tpu.memory_space<semaphore_mem>>) src(%dma_wait3A_294 : memref<1000000x128xf32, #tpu.memory_space<hbm>>) dst(%dma_wait3A_288 : memref<100x128xf32, #tpu.memory_space<vmem>>)
    %dma_wait3A_295 = arith.constant 13 : i32
    %dma_wait3A_296 = arith.constant 500 : i32
    %dma_wait3A_297 = arith.constant 0 : i32
    %dma_wait3A_298 = tpu.memref_slice %arg6[%dma_wait3A_296, %dma_wait3A_297] : memref<800x128xf32, #tpu.memory_space<vmem>> -> memref<100x128xf32, #tpu.memory_space<vmem>>
    %dma_wait3A_299 = arith.constant 0 : i32
    %dma_wait3A_300 = tpu.memref_slice %arg5[%dma_wait3A_295, %dma_wait3A_299] : memref<16x100xi32, #tpu.memory_space<vmem>> -> memref<1x100xi32, #tpu.memory_space<vmem>>
    %dma_wait3A_301 = tpu.memref_squeeze %dma_wait3A_300 : memref<1x100xi32, #tpu.memory_space<vmem>> -> memref<100xi32, #tpu.memory_space<vmem>>
    %dma_wait3A_302 = arith.constant 0 : i32
    %dma_wait3A_303 = arith.constant 0 : i32
    %dma_wait3A_304 = tpu.memref_slice %arg2[%dma_wait3A_302, %dma_wait3A_303] : memref<1000000x128xf32, #tpu.memory_space<hbm>> -> memref<1000000x128xf32, #tpu.memory_space<hbm>>
    tpu.wait_indirect_dma semaphore(%arg7 : memref<!tpu.dma_semaphore, #tpu.memory_space<semaphore_mem>>) src(%dma_wait3A_304 : memref<1000000x128xf32, #tpu.memory_space<hbm>>) dst(%dma_wait3A_298 : memref<100x128xf32, #tpu.memory_space<vmem>>)
    %dma_wait3A_305 = arith.constant 14 : i32
    %dma_wait3A_306 = arith.constant 600 : i32
    %dma_wait3A_307 = arith.constant 0 : i32
    %dma_wait3A_308 = tpu.memref_slice %arg6[%dma_wait3A_306, %dma_wait3A_307] : memref<800x128xf32, #tpu.memory_space<vmem>> -> memref<100x128xf32, #tpu.memory_space<vmem>>
    %dma_wait3A_309 = arith.constant 0 : i32
    %dma_wait3A_310 = tpu.memref_slice %arg5[%dma_wait3A_305, %dma_wait3A_309] : memref<16x100xi32, #tpu.memory_space<vmem>> -> memref<1x100xi32, #tpu.memory_space<vmem>>
    %dma_wait3A_311 = tpu.memref_squeeze %dma_wait3A_310 : memref<1x100xi32, #tpu.memory_space<vmem>> -> memref<100xi32, #tpu.memory_space<vmem>>
    %dma_wait3A_312 = arith.constant 0 : i32
    %dma_wait3A_313 = arith.constant 0 : i32
    %dma_wait3A_314 = tpu.memref_slice %arg2[%dma_wait3A_312, %dma_wait3A_313] : memref<1000000x128xf32, #tpu.memory_space<hbm>> -> memref<1000000x128xf32, #tpu.memory_space<hbm>>
    tpu.wait_indirect_dma semaphore(%arg7 : memref<!tpu.dma_semaphore, #tpu.memory_space<semaphore_mem>>) src(%dma_wait3A_314 : memref<1000000x128xf32, #tpu.memory_space<hbm>>) dst(%dma_wait3A_308 : memref<100x128xf32, #tpu.memory_space<vmem>>)
    %dma_wait3A_315 = arith.constant 15 : i32
    %dma_wait3A_316 = arith.constant 700 : i32
    %dma_wait3A_317 = arith.constant 0 : i32
    %dma_wait3A_318 = tpu.memref_slice %arg6[%dma_wait3A_316, %dma_wait3A_317] : memref<800x128xf32, #tpu.memory_space<vmem>> -> memref<100x128xf32, #tpu.memory_space<vmem>>
    %dma_wait3A_319 = arith.constant 0 : i32
    %dma_wait3A_320 = tpu.memref_slice %arg5[%dma_wait3A_315, %dma_wait3A_319] : memref<16x100xi32, #tpu.memory_space<vmem>> -> memref<1x100xi32, #tpu.memory_space<vmem>>
    %dma_wait3A_321 = tpu.memref_squeeze %dma_wait3A_320 : memref<1x100xi32, #tpu.memory_space<vmem>> -> memref<100xi32, #tpu.memory_space<vmem>>
    %dma_wait3A_322 = arith.constant 0 : i32
    %dma_wait3A_323 = arith.constant 0 : i32
    %dma_wait3A_324 = tpu.memref_slice %arg2[%dma_wait3A_322, %dma_wait3A_323] : memref<1000000x128xf32, #tpu.memory_space<hbm>> -> memref<1000000x128xf32, #tpu.memory_space<hbm>>
    tpu.wait_indirect_dma semaphore(%arg7 : memref<!tpu.dma_semaphore, #tpu.memory_space<semaphore_mem>>) src(%dma_wait3A_324 : memref<1000000x128xf32, #tpu.memory_space<hbm>>) dst(%dma_wait3A_318 : memref<100x128xf32, #tpu.memory_space<vmem>>)
    %add3A_325 = arith.constant 800 : i32
    %add3A_326 = arith.addi %mul3A_2, %add3A_325 : i32
    "tpu.region"() ({
      %run_scoped3A = tpu.sem_alloc : memref<!tpu.dma_semaphore, #tpu.memory_space<semaphore_mem>>
      %dma_start3A_327 = arith.constant 0 : i32
      %dma_start3A_328 = tpu.memref_slice %arg4[%add3A_326, %dma_start3A_327] : memref<51200x128xf32, #tpu.memory_space<hbm>> -> memref<800x128xf32, #tpu.memory_space<hbm>>
      %dma_start3A_329 = arith.constant 0 : i32
      %dma_start3A_330 = tpu.memref_slice %arg4[%add3A_326, %dma_start3A_329] : memref<51200x128xf32, #tpu.memory_space<hbm>> -> memref<800x128xf32, #tpu.memory_space<hbm>>
      tpu.enqueue_dma source(%arg6 : memref<800x128xf32, #tpu.memory_space<vmem>>) target(%dma_start3A_330 : memref<800x128xf32, #tpu.memory_space<hbm>>) target_semaphore(%run_scoped3A : memref<!tpu.dma_semaphore, #tpu.memory_space<semaphore_mem>>)
      %dma_wait3A_331 = arith.constant 0 : i32
      %dma_wait3A_332 = tpu.memref_slice %arg4[%add3A_326, %dma_wait3A_331] : memref<51200x128xf32, #tpu.memory_space<hbm>> -> memref<800x128xf32, #tpu.memory_space<hbm>>
      %dma_wait3A_333 = arith.constant 0 : i32
      %dma_wait3A_334 = tpu.memref_slice %arg4[%add3A_326, %dma_wait3A_333] : memref<51200x128xf32, #tpu.memory_space<hbm>> -> memref<800x128xf32, #tpu.memory_space<hbm>>
      tpu.wait_dma2 semaphore(%run_scoped3A : memref<!tpu.dma_semaphore, #tpu.memory_space<semaphore_mem>>) src(%arg6 : memref<800x128xf32, #tpu.memory_space<vmem>>) dst(%dma_wait3A_334 : memref<800x128xf32, #tpu.memory_space<hbm>>)
      tpu.yield
    }) : () -> ()
    return
  }
}

module attributes {stable_mosaic.version = 14 : i64} {
  func.func @_pad_body(%arg0: i32, %arg1: memref<64x4096xf32, #tpu.memory_space<vmem>>, %arg2: memref<4096x128xf32, #tpu.memory_space<vmem>>) attributes {dimension_semantics = [#tpu.dimension_semantics<parallel>], iteration_bounds = array<i64: 244>, scalar_prefetch = 0 : i64, scratch_operands = 0 : i64, tpu.core_type = #tpu.core_type<tc>, window_params = [{transform_indices = @transform_0, window_bounds = array<i64: 64, 4096>}, {transform_indices = @transform_1, window_bounds = array<i64: 4096, 128>}]} {
    %get3A = arith.constant 0 : index
    %get3A_0 = arith.constant 0 : index
    %get3A_1 = vector.load %arg1[%get3A, %get3A_0] : memref<64x4096xf32, #tpu.memory_space<vmem>>, vector<64x4096xf32>
    %transpose3A = tpu.transpose %get3A_1, [1, 0] : vector<64x4096xf32> -> vector<4096x64xf32>
    %broadcast_in_dim3A = arith.constant 0.000000e+00 : f32
    %broadcast_in_dim3A_2 = vector.broadcast %broadcast_in_dim3A : f32 to vector<4096x64xf32>
    %concatenate3A = tpu.concatenate %transpose3A, %broadcast_in_dim3A_2 in 1 : vector<4096x64xf32>, vector<4096x64xf32> -> vector<4096x128xf32>
    %swap3A = arith.constant 0 : index
    %swap3A_3 = arith.constant 0 : index
    %swap3A_4 = vector.load %arg2[%swap3A, %swap3A_3] : memref<4096x128xf32, #tpu.memory_space<vmem>>, vector<4096x128xf32>
    tpu.vector_store %arg2[%swap3A, %swap3A_3], %concatenate3A {strides = array<i32>} : memref<4096x128xf32, #tpu.memory_space<vmem>>, vector<4096x128xf32>,
    return
  }
  func.func @transform_0(%arg0: i32) -> (i32, i32) {
    %c0_i32 = arith.constant 0 : i32
    %c0_i32_0 = arith.constant 0 : i32
    return %c0_i32, %arg0 : i32, i32
  }
  func.func @transform_1(%arg0: i32) -> (i32, i32) {
    %c0_i32 = arith.constant 0 : i32
    %c0_i32_0 = arith.constant 0 : i32
    return %arg0, %c0_i32 : i32, i32
  }
}

module attributes {stable_mosaic.version = 14 : i64} {
  func.func @_mm_body(%arg0: i32, %arg1: memref<2048x128xf32, #tpu.memory_space<vmem>>, %arg2: memref<2048x256xf32, #tpu.memory_space<vmem>>, %arg3: memref<64x256xf32, #tpu.memory_space<vmem>>) attributes {dimension_semantics = [#tpu.dimension_semantics<arbitrary>], iteration_bounds = array<i64: 25>, scalar_prefetch = 0 : i64, scratch_operands = 0 : i64, tpu.core_type = #tpu.core_type<tc>, window_params = [{transform_indices = @transform_0, window_bounds = array<i64: 2048, 128>}, {transform_indices = @transform_1, window_bounds = array<i64: 2048, 256>}, {pipeline_mode = #tpu.pipeline_mode<synchronous>, transform_indices = @transform_2, window_bounds = array<i64: 64, 256>}]} {
    %eq3A = arith.constant 0 : i32
    %eq3A_0 = arith.cmpi eq, %arg0, %eq3A : i32
    %convert_element_type3A = arith.extui %eq3A_0 : i1 to i32
    %cond3A = arith.constant 0 : i32
    %cond3A_1 = arith.cmpi ne, %convert_element_type3A, %cond3A : i32
    scf.if %cond3A_1 {
      %broadcast_in_dim3A_20 = arith.constant 0.000000e+00 : f32
      %broadcast_in_dim3A_21 = vector.broadcast %broadcast_in_dim3A_20 : f32 to vector<64x256xf32>
      %swap3A_22 = arith.constant 0 : index
      %swap3A_23 = arith.constant 0 : index
      %swap3A_24 = vector.load %arg3[%swap3A_22, %swap3A_23] : memref<64x256xf32, #tpu.memory_space<vmem>>, vector<64x256xf32>
      tpu.vector_store %arg3[%swap3A_22, %swap3A_23], %broadcast_in_dim3A_21 {strides = array<i32>} : memref<64x256xf32, #tpu.memory_space<vmem>>, vector<64x256xf32>,
    } else {
    }
    %mul3A = arith.constant 2048 : i32
    %mul3A_2 = arith.muli %arg0, %mul3A : i32
    %iota3A = tpu.iota {dimensions = array<i32: 0>} : vector<2048x1xi32>
    %add3A = vector.broadcast %mul3A_2 : i32 to vector<2048x1xi32>
    %add3A_3 = arith.addi %add3A, %iota3A : vector<2048x1xi32>
    %lt3A = arith.constant 50000 : i32
    %lt3A_4 = vector.broadcast %lt3A : i32 to vector<2048x1xi32>
    %lt3A_5 = arith.cmpi slt, %add3A_3, %lt3A_4 : vector<2048x1xi32>
    %get3A = arith.constant 0 : index
    %get3A_6 = arith.constant 0 : index
    %get3A_7 = vector.load %arg2[%get3A, %get3A_6] : memref<2048x256xf32, #tpu.memory_space<vmem>>, vector<2048x256xf32>
    %jit3A = arith.constant 0.000000e+00 : f32
    %broadcast_in_dim3A = vector.shape_cast %lt3A_5 : vector<2048x1xi1> to vector<2048x1xi1>
    %broadcast_in_dim3A_8 = vector.broadcast %broadcast_in_dim3A : vector<2048x1xi1> to vector<2048x256xi1>
    %broadcast_in_dim3A_9 = vector.broadcast %jit3A : f32 to vector<2048x256xf32>
    %select_n3A = arith.select %broadcast_in_dim3A_8, %get3A_7, %broadcast_in_dim3A_9 : vector<2048x256xi1>, vector<2048x256xf32>
    %get3A_10 = arith.constant 0 : index
    %get3A_11 = arith.constant 0 : index
    %get3A_12 = vector.load %arg1[%get3A_10, %get3A_11] : memref<2048x128xf32, #tpu.memory_space<vmem>>, vector<2048x128xf32>
    %slice3A = vector.extract_strided_slice %get3A_12 {offsets = [0, 0], sizes = [2048, 64], strides = [1, 1]} : vector<2048x128xf32> to vector<2048x64xf32>
    %get3A_13 = arith.constant 0 : index
    %get3A_14 = arith.constant 0 : index
    %get3A_15 = vector.load %arg3[%get3A_13, %get3A_14] : memref<64x256xf32, #tpu.memory_space<vmem>>, vector<64x256xf32>
    %dot_general3A = arith.constant dense<0.000000e+00> : vector<64x256xf32>
    %dot_general3A_16 = tpu.matmul %slice3A, %select_n3A, %dot_general3A {dimension_numbers = #tpu.dot_dimension_numbers<[0], [0], [1], [1], [0, 1, 1, 1], [], []>, transpose_lhs_hint = false} : vector<2048x64xf32>, vector<2048x256xf32>, vector<64x256xf32> -> vector<64x256xf32>
    %add3A_17 = arith.addf %get3A_15, %dot_general3A_16 : vector<64x256xf32>
    %swap3A = arith.constant 0 : index
    %swap3A_18 = arith.constant 0 : index
    %swap3A_19 = vector.load %arg3[%swap3A, %swap3A_18] : memref<64x256xf32, #tpu.memory_space<vmem>>, vector<64x256xf32>
    tpu.vector_store %arg3[%swap3A, %swap3A_18], %add3A_17 {strides = array<i32>} : memref<64x256xf32, #tpu.memory_space<vmem>>, vector<64x256xf32>,
    return
  }
  func.func @transform_0(%arg0: i32) -> (i32, i32) {
    %c0_i32 = arith.constant 0 : i32
    %c0_i32_0 = arith.constant 0 : i32
    return %arg0, %c0_i32 : i32, i32
  }
  func.func @transform_1(%arg0: i32) -> (i32, i32) {
    %c0_i32 = arith.constant 0 : i32
    %c0_i32_0 = arith.constant 0 : i32
    return %arg0, %c0_i32 : i32, i32
  }
  func.func @transform_2(%arg0: i32) -> (i32, i32) {
    %c0_i32 = arith.constant 0 : i32
    %c0_i32_0 = arith.constant 0 : i32
    %c0_i32_1 = arith.constant 0 : i32
    return %c0_i32, %c0_i32_0 : i32, i32
  }
}

</mosaic_0001>

<sc_bundles>
// kernel: kernel.5.cloned.1.call-start
scs
__scs_entry_jumppad:
0x0: {  	(pc) =	sbr.rel $0x88, $3  }
0x1: {  	(tag) =	ssettag $0x0;
	lr =	simm.s32 $0x1  }
0x2: {  	[smem:$0x3F9E] =	sst lr;
	_ =	strace $0xD0000000  }
0x3: {  	_ = 	snop  }
0x4: {  	_ = 	snop  }
0x5: {  	_ = 	snop  }
0x6: {  	_ = 	snop  }
0x7: {  	_ = 	snop  }
__scs_overlays_trampoline_lowered:
0x8: {  	[smem:$0x3FAD] =	sst s0  }
0x9: {  	[smem:$0x3FAE] =	sst s1  }
0xa: {  	[smem:$0x3FAF] =	sst s2  }
0xb: {  	[smem:$0x3FB0] =	sst s3  }
0xc: {  	[smem:$0x3FB1] =	sst s4  }
0xd: {  	[smem:$0x3FB2] =	sst s5  }
0xe: {  	[smem:$0x3FB3] =	sst s6  }
0xf: {  	[smem:$0x3FB4] =	sst s7  }
0x10: {  	[smem:$0x3FB5] =	sst s8  }
0x11: {  	[smem:$0x3FB6] =	sst s9;
	s0 =	simm.s32 @!p0 $0x0  }
0x12: {  	s1 =	sld [smem:$0x3F9C];
	s0 =	simm.s32 @p0 $0x1  }
0x13: {  	[smem:$0x3FB7] =	sst s0;
	s0 =	simm.s32 @!p1 $0x0  }
0x14: {  	s2 =	sld [smem:$0x3F9B];
	s0 =	simm.s32 @p1 $0x1  }
0x15: {  	[smem:$0x3FB8] =	sst s0;
	s0 =	simm.s32 @!p2 $0x0  }
0x16: {  	s3 =	sld [smem:$0x3FDB];
	s0 =	simm.s32 @p2 $0x1  }
0x17: {  	s4 =	simm.s32 $0x1BF5;
	[smem:$0x3FBA] =	sst s0  }
0x18: {  	s0 =	sld [smem:$0x3F9D];
	_ =	swait.ge [sflag:s4], $0x0  }
0x19: {  	s7 =	sld [smem:$0x3F9E]  }
0x1a: {  	s8 =	sadd.s32 $0xFFFFE003, lr  }
0x1b: {  	s9 =	sadd.s32 $0xFFFFFEF7, lr;
	s5 =	simm.s32 $0xFFFFFFFF;
	p2 =	slt.u32 s8, $0xFFFFF086  }
0x1c: {  	p1 =	slt.u32 s9, $0xF7A;
	s5 =	simm.s32 @!p2 $0x0  }
0x1d: {  	s5 =	simm.s32 @p1 $0x1;
	p0 =	seq.s32 s7, s2  }
0x1e: {  	s7 =	smul.u32 @!p0 $0xF7A, s2;
	p2 =	seq.s32 @!p0 s5, $0x0  }
0x1f: {  	s9 =	smul.u32 $0xF7A, s1;
	s8 =	simm.s32 @!p0 $0x1BF5;
	p2 =	por !p2, p0  }
0x20: {  	[sflag:s8] =	ssyncset.s32 @!p0 $0xFFFFF086;
	s6 =	sadd.s32 @!p0 s3, s7;
	s7 =	simm.s32 @!p0 $0x108  }
0x21: {  	s3 =	sadd.s32 s3, s9;
	s6 =	sadd.s32 @!p0 $0x88, s6;
	s7 =	simm.s32 @p2 $0x1082  }
0x22: {  	[simem:s7], [sflag:s8] =	dma.local @!p0 [hbm:s6], $0xF7A  }
0x23: {  	s9 =	sor.u32 $0xD0000000, s2;
	s6 =	simm.s32 $0x108;
	_ =	swait.ge @!p0 [sflag:s8], $0x0  }
0x24: {  	s3 =	sadd.s32 $0x88, s3;
	s6 =	simm.s32 @!p1 $0x1082;
	[sflag:s4] =	ssyncset.s32 $0xFFFFF086  }
0x25: {  	[simem:s6], [sflag:s4] =	dma.local [hbm:s3], $0xF7A  }
0x26: {  	[smem:$0x3F9E] =	sst s1;
	(tag) =	ssettag s2;
	_ =	strace s9  }
0x27: {  	s1 =	sld [smem:$0x3FAE]  }
0x28: {  	s2 =	sld [smem:$0x3FAF]  }
0x29: {  	s4 =	sld [smem:$0x3FB1]  }
0x2a: {  	p0 =	seq.s32 s5, $0x0;
	s5 =	sld [smem:$0x3FB2]  }
0x2b: {  	s6 =	sld [smem:$0x3FB3]  }
0x2c: {  	s7 =	sld [smem:$0x3FB4]  }
0x2d: {  	s3 =	simm.s32 $0x108;
	s8 =	sld [smem:$0x3FB5]  }
0x2e: {  	s3 =	simm.s32 @!p0 $0x1082;
	s9 =	sld [smem:$0x3FB6]  }
0x2f: {  	lr =	sadd.s32 s0, s3;
	s0 =	sld [smem:$0x3FAD]  }
0x30: {  	s3 =	sld [smem:$0x3FB0]  }
0x31: {  	[smem:$0x3FB9] =	sst s10  }
0x32: {  	s10 =	sld [smem:$0x3FB7];
	_ =	sdelay $0x3  }
0x33: {  	p0 =	seq.s32 s10, $0x1;
	s10 =	sld [smem:$0x3FB9];
	_ =	sdelay $0x3  }
0x34: {  	[smem:$0x3FB9] =	sst s10  }
0x35: {  	s10 =	sld [smem:$0x3FB8];
	_ =	sdelay $0x3  }
0x36: {  	p1 =	seq.s32 s10, $0x1;
	s10 =	sld [smem:$0x3FB9];
	_ =	sdelay $0x3  }
0x37: {  	[smem:$0x3FB9] =	sst s10  }
0x38: {  	s10 =	sld [smem:$0x3FBA]  }
0x39: {  	_ = 	snop;
	(pc) =	sbr.ind lr, $3  }
0x3a: {  	_ = 	snop  }
0x3b: {  	_ = 	snop  }
0x3c: {  	p2 =	seq.s32 s10, $0x1;
	s10 =	sld [smem:$0x3FB9]  }
0x3d: {  	_ =	shalt  }
0x3e: {  	_ =	shalt  }
0x3f: {  	_ =	shalt  }
0x40: {  	_ =	shalt  }
0x41: {  	_ =	shalt  }
0x42: {  	_ =	shalt  }
0x43: {  	_ =	shalt  }
0x44: {  	_ =	shalt  }
0x45: {  	_ =	shalt  }
0x46: {  	_ =	shalt  }
0x47: {  	_ =	shalt  }
0x48: {  	_ =	shalt  }
0x49: {  	_ =	shalt  }
0x4a: {  	_ =	shalt  }
0x4b: {  	_ =	shalt  }
0x4c: {  	_ =	shalt  }
0x4d: {  	_ =	shalt  }
0x4e: {  	_ =	shalt  }
0x4f: {  	_ =	shalt  }
0x50: {  	_ =	shalt  }
0x51: {  	_ =	shalt  }
0x52: {  	_ =	shalt  }
0x53: {  	_ =	shalt  }
0x54: {  	_ =	shalt  }
0x55: {  	_ =	shalt  }
0x56: {  	_ =	shalt  }
0x57: {  	_ =	shalt  }
0x58: {  	_ =	shalt  }
0x59: {  	_ =	shalt  }
0x5a: {  	_ =	shalt  }
0x5b: {  	_ =	shalt  }
0x5c: {  	_ =	shalt  }
0x5d: {  	_ =	shalt  }
0x5e: {  	_ =	shalt  }
0x5f: {  	_ =	shalt  }
0x60: {  	_ =	shalt  }
0x61: {  	_ =	shalt  }
0x62: {  	_ =	shalt  }
0x63: {  	_ =	shalt  }
0x64: {  	_ =	shalt  }
0x65: {  	_ =	shalt  }
0x66: {  	_ =	shalt  }
0x67: {  	_ =	shalt  }
0x68: {  	_ =	shalt  }
0x69: {  	_ =	shalt  }
0x6a: {  	_ =	shalt  }
0x6b: {  	_ =	shalt  }
0x6c: {  	_ =	shalt  }
0x6d: {  	_ =	shalt  }
0x6e: {  	_ =	shalt  }
0x6f: {  	_ =	shalt  }
0x70: {  	_ =	shalt  }
0x71: {  	_ =	shalt  }
0x72: {  	_ =	shalt  }
0x73: {  	_ =	shalt  }
0x74: {  	_ =	shalt  }
0x75: {  	_ =	shalt  }
0x76: {  	_ =	shalt  }
0x77: {  	_ =	shalt  }
0x78: {  	_ =	shalt  }
0x79: {  	_ =	shalt  }
0x7a: {  	_ =	shalt  }
0x7b: {  	_ =	shalt  }
0x7c: {  	_ =	shalt  }
0x7d: {  	_ =	shalt  }
0x7e: {  	_ =	shalt  }
0x7f: {  	_ =	shalt  }
0x80: {  	_ =	shalt  }
0x81: {  	_ =	shalt  }
0x82: {  	_ =	shalt  }
0x83: {  	_ =	shalt  }
0x84: {  	_ =	shalt  }
0x85: {  	_ =	shalt  }
0x86: {  	_ =	shalt  }
0x87: {  	_ =	shalt  }
.Lfunc_end0:
.L_simem_size_0:
called_computation_lowered:
.L_overlay_start_0:
0x88: {  	s2 =	sld [smem:$0x3FD9]  }
0x89: {  	s3 =	sld [smem:$0x3FFE];
	_ =	sdelay $0x1  }
0x8a: {  	s1 =	srdreg.scid  }
0x8b: {  	s0 =	sand.u32 $0x1, s1  }
0x8c: {  	s16 =	sshll.u32 s0, $0xA;
	s2 =	sadd.s32 s3, s2  }
0x8d: {  	s2 =	sadd.s32 s2, s16  }
0x8e: {  	[smem:$0x3FC5] =	sst s2  }
0x8f: {  	_ = 	snop  }
0x90: {  	(tm) =	ssettm $0x1  }
0x91: {  	s17 =	sld [smem:$0x3FFB];
	_ =	sdelay $0x3  }
0x92: {  	_ =	strace s17  }
0x93: {  	s2 =	sld [smem:$0x3FFC];
	_ =	sdelay $0x3  }
0x94: {  	_ =	strace s2  }
0x95: {  	s2 =	sld [smem:$0x3FFD];
	_ =	sdelay $0x3  }
0x96: {  	_ =	strace s2  }
0x97: {  	_ =	strace $0x8FFFFFFF  }
0x98: {  	s18 =	sld [smem:$0x3FDB];
	_ =	sdelay $0x1  }
0x99: {  	s19 =	simm.s32 $_scs_section_size  }
0x9a: {  	s4 =	simm.s32 $_size__tile_overlayer_lowered;
	s5 =	simm.s32 $_tile_overlayer_lowered  }
0x9b: {  	s22 =	simm.s32 $0x1BFF;
	s21 =	sshll.u32 s5, $0x1;
	s2 =	sadd.s32 s19, s18  }
0x9c: {  	s6 =	simm.s32 $0x0;
	s20 =	sshll.u32 s4, $0x1;
	s4 =	sadd.s32 s21, s2  }
0x9d: {  	[timem:s6], [sflag:s22] =	dma.local [hbm:s4], s20  }
0x9e: {  	_ =	swait.ge [sflag:s22], s20  }
0x9f: {  	s3 =	ssub.s32 $0x0, s20;
	[sflag:s22] =	ssyncset.done $0x0  }
0xa0: {  	[sflag:s22] =	ssyncadd.s32 s3;
	_ =	sdelay $0x1  }
0xa1: {  	s23 =	simm.s32 $0x1B8B  }
0xa2: {  	_ =	swait.ge [sflag:s23], $0x1  }
0xa3: {  	[sflag:s23] =	ssyncset.done $0x0  }
0xa4: {  	s25 =	simm.s32 $0x1B8E;
	s24 =	sld [smem:$0x3FFE];
	[sflag:s23] =	ssyncadd.s32 $0xFFFFFFFF  }
0xa5: {  	s26 =	simm.s32 $execute0_lowered;
	[smem:$0x3FD2] =	sst s25  }
0xa6: {  	s4 =	sshll.u32 s26, $0x1;
	_ =	strace $0x80000046;
	[dreg:$0x1] =	wrdreg $0xFFFFFFFF  }
0xa7: {  	s28 =	simm.s32 $_size_execute0_lowered;
	s2 =	sadd.s32 s2, s4;
	[dreg:$0x0] =	wrdreg $0x0  }
0xa8: {  	s4 =	sshll.u32 s28, $0x1;
	[dreg:$0x2] =	wrdreg s2  }
0xa9: {  	[dreg:$0x3] =	wrdreg s4  }
0xaa: {  	[dreg:$0x4] =	wrdreg $0xC0  }
0xab: {  	_ =	task [dreg:s6], $0x5FFFF  }
0xac: {  	[dreg:$0x1] =	wrdreg $0xFFFFFFFF  }
0xad: {  	[dreg:$0x0] =	wrdreg $0x60  }
0xae: {  	[dreg:$0x2] =	wrdreg s24  }
0xaf: {  	[dreg:$0x3] =	wrdreg $0x9  }
0xb0: {  	_ =	task.clear_ibuf [dreg:s6], $0x4FFFF;
	_ =	strace $0x90000046  }
0xb1: {  	s29 =	simm.s32 $0x9;
	_ =	strace $0x80000048  }
0xb2: {  	_ =	swait.ge [sflag:s29], $0x1  }
0xb3: {  	[sflag:s29] =	ssyncadd.s32 $0xFFFFFFFF  }
0xb4: {  	_ =	strace $0x90000048  }
0xb5: {  	_ =	sfence  }
0xb6: {  	s30 =	sld [smem:$0x0];
	_ =	sdelay $0x2  }
0xb7: {  	s31 =	sshll.u32 s1, $0xD;
	s1 =	sshrl.u32 s1, $0x2  }
0xb8: {  	s3 =	sand.u32 $0x4000, s31;
	s1 =	sadd.s32 s1, s30  }
0xb9: {  	s0 =	sor.u32 s3, s0;
	s1 =	sshll.u32 s1, $0x11  }
0xba: {  	s0 =	sor.u32 s1, s0  }
0xbb: {  	s0 =	sadd.s32 $0x8F2B, s0  }
0xbc: {  	[sflag:s0] =	ssyncadd.remote.s32 $0x1  }
0xbd: {  	_ =	sfence.sel $0xFFFF  }
0xbe: {  	[dreg:$0x0] =	wrdreg $0xFFFFFFFF;
	(pc) =	sbr.abs _section_cstart, $3  }
0xbf: {  	[dreg:$0x1] =	wrdreg $0xFFFFFFFF  }
0xc0: {  	_ =	task.clear_ibuf [dreg:s6], $0x2FFFF;
	_ =	strace $0x9FFFFFFF  }
0xc1: {  	(tm) =	ssettm $0x7FFFFFFF  }
tec
execute0_lowered:
.L_overlay_start_1:
0x0: {  	(tag) =	ssettag $0x1  }
0x1: {  	s0 =	rddreg [dreg:$0x0];
	s1 =	srdreg.scid;
	s2 =	simm.s32 $0x0  }
0x2: {  	s4 =	stileid.u32;
	s8 =	simm.s32 $0x64;
	s24 =	simm.s32 $0x80  }
0x3: {  	s9 =	simm.s32 $0x3A00;
	s25 =	simm.s32 $0x100;
	s10 =	simm.s32 $0x6C00  }
0x4: {  	s26 =	simm.s32 $0x180;
	s11 =	simm.s32 $0x9E00;
	s28 =	simm.s32 $0x200  }
0x5: {  	s12 =	simm.s32 $0xD000;
	s29 =	simm.s32 $0x280;
	s13 =	simm.s32 $0x10200  }
0x6: {  	s30 =	simm.s32 $0x300;
	s14 =	simm.s32 $0x13400;
	s31 =	simm.s32 $0x380  }
0x7: {  	s15 =	simm.s32 $0x16600;
	s16 =	simm.s32 $0x400;
	s17 =	simm.s32 $0x480  }
0x8: {  	p0 =	por $0x0, $0x0;
	s18 =	simm.s32 $0x500;
	s19 =	simm.s32 $0x580  }
0x9: {  	s20 =	simm.s32 $0x600;
	s21 =	simm.s32 $0x680;
	s1 =	sand.u32 $0x1, s1  }
0xa: {  	s22 =	simm.s32 $0x700;
	s3 =	sshll.u32 s1, $0x4;
	s1 =	ssub.s32 $0x2, s1  }
0xb: {  	[smem:$0x7FF] =	sst s2;
	s6 =	sadd.s32 $0x1C00, s0;
	s7 =	sshrl.u32 s1, $0x1  }
0xc: {  	_ =	strace $0x80000047;
	s3 =	sor.u32 s4, s3;
	s1 =	ssub.s32 s1, s7  }
0xd: {  	s4 =	sshll.u32 s3, $0x8;
	s5 =	smul.u32 $0x32000, s3;
	s23 =	smax.u32 s1, $0x1  }
0xe: {  	s3 =	smul.u32 $0x6400, s3;
	s4 =	sadd.s32 s4, s0;
	p1 =	sne.s32 s23, $0x1  }
.Ltmp0:
0xf: {  	s0 =	sadd.s32 $0xF46000, s0;
	s4 =	sadd.s32 $0xF44000, s4;
	(pc) =	sbr.rel @!p1 .LBB2_3-.Ltmp0, $4  }
0x10: {  	s5 =	sshrl.u32 s5, $0x3;
	s3 =	sadd.s32 s0, s3;
	[dreg:$0x2] =	wrdreg s4  }
0x11: {  	s7 =	simm.s32 $0x1;
	s0 =	sadd.s32 s0, s5;
	[dreg:$0x3] =	wrdreg s3  }
0x12: {  	s3 =	simm.s32 $0x2;
	s5 =	simm.s32 $0x800;
	s4 =	sadd.s32 $0x3200, s0  }
0x13: {  	s0 =	sadd.s32 $0xFFFFFFFF, s23;
	s23 =	simm.s32 $0x780;
	s1 =	rddreg [dreg:$0x2]  }
0x14: {  	[tilespmem:s2], [sflag:$0x2] =	stream.linear.gather [hbm4b:s1+s2], $0x800, $0x38;
	[tilespmem:$0x19800] =	vst v63  }
0x15: {  	_ =	swait.ge [sflag:s3], $0x800  }
0x16: {  	[sflag:s3] =	ssyncset.done $0x0  }
0x17: {  	[sflag:s3] =	ssyncadd.s32 $0xFFFFF800  }
0x18: {  	[tilespmem:s5], [sflag:$0x1] =	stream.indirect.gather [hbm4b:s6+s8], $0x80, s2, s8, $0xb8;
	[tilespmem:$0x19800] =	vst v63  }
0x19: {  	_ = 	snop  }
0x1a: {  	[tilespmem:s9], [sflag:$0x1] =	stream.indirect.gather [hbm4b:s6+s8], $0x80, s24, s8, $0xb8;
	[tilespmem:$0x19800] =	vst v63  }
0x1b: {  	_ = 	snop  }
0x1c: {  	[tilespmem:s10], [sflag:$0x1] =	stream.indirect.gather [hbm4b:s6+s8], $0x80, s25, s8, $0xb8;
	[tilespmem:$0x19800] =	vst v63  }
0x1d: {  	_ = 	snop  }
0x1e: {  	[tilespmem:s11], [sflag:$0x1] =	stream.indirect.gather [hbm4b:s6+s8], $0x80, s26, s8, $0xb8;
	[tilespmem:$0x19800] =	vst v63  }
0x1f: {  	_ = 	snop  }
0x20: {  	[tilespmem:s12], [sflag:$0x1] =	stream.indirect.gather [hbm4b:s6+s8], $0x80, s28, s8, $0xb8;
	[tilespmem:$0x19800] =	vst v63  }
0x21: {  	_ = 	snop  }
0x22: {  	[tilespmem:s13], [sflag:$0x1] =	stream.indirect.gather [hbm4b:s6+s8], $0x80, s29, s8, $0xb8;
	[tilespmem:$0x19800] =	vst v63  }
0x23: {  	_ = 	snop  }
0x24: {  	[tilespmem:s14], [sflag:$0x1] =	stream.indirect.gather [hbm4b:s6+s8], $0x80, s30, s8, $0xb8;
	[tilespmem:$0x19800] =	vst v63  }
0x25: {  	_ = 	snop  }
0x26: {  	[tilespmem:s15], [sflag:$0x1] =	stream.indirect.gather [hbm4b:s6+s8], $0x80, s31, s8, $0xb8;
	[tilespmem:$0x19800] =	vst v63  }
0x27: {  	_ =	swait.ge [sflag:s7], $0x3200  }
0x28: {  	[sflag:s7] =	ssyncset.done $0x0  }
0x29: {  	[sflag:s7] =	ssyncadd.s32 $0xFFFFCE00  }
0x2a: {  	_ =	swait.ge [sflag:s7], $0x3200  }
0x2b: {  	[sflag:s7] =	ssyncset.done $0x0  }
0x2c: {  	[sflag:s7] =	ssyncadd.s32 $0xFFFFCE00  }
0x2d: {  	_ =	swait.ge [sflag:s7], $0x3200  }
0x2e: {  	[sflag:s7] =	ssyncset.done $0x0  }
0x2f: {  	[sflag:s7] =	ssyncadd.s32 $0xFFFFCE00  }
0x30: {  	_ =	swait.ge [sflag:s7], $0x3200  }
0x31: {  	[sflag:s7] =	ssyncset.done $0x0  }
0x32: {  	[sflag:s7] =	ssyncadd.s32 $0xFFFFCE00  }
0x33: {  	_ =	swait.ge [sflag:s7], $0x3200  }
0x34: {  	[sflag:s7] =	ssyncset.done $0x0  }
0x35: {  	[sflag:s7] =	ssyncadd.s32 $0xFFFFCE00  }
0x36: {  	_ =	swait.ge [sflag:s7], $0x3200  }
0x37: {  	[sflag:s7] =	ssyncset.done $0x0  }
0x38: {  	[sflag:s7] =	ssyncadd.s32 $0xFFFFCE00  }
0x39: {  	_ =	swait.ge [sflag:s7], $0x3200  }
0x3a: {  	[sflag:s7] =	ssyncset.done $0x0  }
0x3b: {  	[sflag:s7] =	ssyncadd.s32 $0xFFFFCE00  }
0x3c: {  	_ =	swait.ge [sflag:s7], $0x3200  }
0x3d: {  	[sflag:s7] =	ssyncset.done $0x0  }
0x3e: {  	s1 =	rddreg [dreg:$0x3];
	[sflag:s7] =	ssyncadd.s32 $0xFFFFCE00  }
0x3f: {  	[hbm4b:s1+s2] =	stream.linear.scatter [tilespmem:s5], [sflag:$0x2], $0x19000, $0x38;
	[tilespmem:$0x19800] =	vst v63  }
0x40: {  	_ =	swait.ge [sflag:s3], $0x19000  }
0x41: {  	[sflag:s3] =	ssyncset.done $0x0  }
0x42: {  	[sflag:s3] =	ssyncadd.s32 $0xFFFE7000  }
0x43: {  	[tilespmem:s5], [sflag:$0x1] =	stream.indirect.gather [hbm4b:s6+s8], $0x80, s16, s8, $0xb8;
	[tilespmem:$0x19800] =	vst v63  }
0x44: {  	_ = 	snop  }
0x45: {  	[tilespmem:s9], [sflag:$0x1] =	stream.indirect.gather [hbm4b:s6+s8], $0x80, s17, s8, $0xb8;
	[tilespmem:$0x19800] =	vst v63  }
0x46: {  	_ = 	snop  }
0x47: {  	[tilespmem:s10], [sflag:$0x1] =	stream.indirect.gather [hbm4b:s6+s8], $0x80, s18, s8, $0xb8;
	[tilespmem:$0x19800] =	vst v63  }
0x48: {  	_ = 	snop  }
0x49: {  	[tilespmem:s11], [sflag:$0x1] =	stream.indirect.gather [hbm4b:s6+s8], $0x80, s19, s8, $0xb8;
	[tilespmem:$0x19800] =	vst v63  }
0x4a: {  	_ = 	snop  }
0x4b: {  	[tilespmem:s12], [sflag:$0x1] =	stream.indirect.gather [hbm4b:s6+s8], $0x80, s20, s8, $0xb8;
	[tilespmem:$0x19800] =	vst v63  }
0x4c: {  	_ = 	snop  }
0x4d: {  	[tilespmem:s13], [sflag:$0x1] =	stream.indirect.gather [hbm4b:s6+s8], $0x80, s21, s8, $0xb8;
	[tilespmem:$0x19800] =	vst v63  }
0x4e: {  	_ = 	snop  }
0x4f: {  	[tilespmem:s14], [sflag:$0x1] =	stream.indirect.gather [hbm4b:s6+s8], $0x80, s22, s8, $0xb8;
	[tilespmem:$0x19800] =	vst v63  }
0x50: {  	_ = 	snop  }
0x51: {  	[tilespmem:s15], [sflag:$0x1] =	stream.indirect.gather [hbm4b:s6+s8], $0x80, s23, s8, $0xb8;
	[tilespmem:$0x19800] =	vst v63  }
0x52: {  	_ =	swait.ge [sflag:s7], $0x3200  }
0x53: {  	[sflag:s7] =	ssyncset.done $0x0  }
0x54: {  	[sflag:s7] =	ssyncadd.s32 $0xFFFFCE00  }
0x55: {  	_ =	swait.ge [sflag:s7], $0x3200  }
0x56: {  	[sflag:s7] =	ssyncset.done $0x0  }
0x57: {  	[sflag:s7] =	ssyncadd.s32 $0xFFFFCE00  }
0x58: {  	_ =	swait.ge [sflag:s7], $0x3200  }
0x59: {  	[sflag:s7] =	ssyncset.done $0x0  }
0x5a: {  	[sflag:s7] =	ssyncadd.s32 $0xFFFFCE00  }
0x5b: {  	_ =	swait.ge [sflag:s7], $0x3200  }
0x5c: {  	[sflag:s7] =	ssyncset.done $0x0  }
0x5d: {  	[sflag:s7] =	ssyncadd.s32 $0xFFFFCE00  }
0x5e: {  	_ =	swait.ge [sflag:s7], $0x3200  }
0x5f: {  	[sflag:s7] =	ssyncset.done $0x0  }
0x60: {  	[sflag:s7] =	ssyncadd.s32 $0xFFFFCE00  }
0x61: {  	_ =	swait.ge [sflag:s7], $0x3200  }
0x62: {  	[sflag:s7] =	ssyncset.done $0x0  }
0x63: {  	[sflag:s7] =	ssyncadd.s32 $0xFFFFCE00  }
0x64: {  	_ =	swait.ge [sflag:s7], $0x3200  }
0x65: {  	[sflag:s7] =	ssyncset.done $0x0  }
0x66: {  	[sflag:s7] =	ssyncadd.s32 $0xFFFFCE00  }
0x67: {  	p1 =	sne.s32 s0, $0x1;
	_ =	swait.ge [sflag:s7], $0x3200  }
.Ltmp1:
0x68: {  	[sflag:s7] =	ssyncset.done $0x0;
	(pc) =	sbr.rel @!p1 .LBB2_3-.Ltmp1, $4  }
0x69: {  	[sflag:s7] =	ssyncadd.s32 $0xFFFFCE00  }
0x6a: {  	[hbm4b:s4+s2] =	stream.linear.scatter [tilespmem:s5], [sflag:$0x2], $0x19000, $0x38;
	[tilespmem:$0x19800] =	vst v63  }
0x6b: {  	s0 =	sadd.s32 $0xFFFFFFFF, s0;
	_ =	swait.ge [sflag:s3], $0x19000  }
0x6c: {  	p0 =	por $0x1, $0x1;
	s1 =	rddreg [dreg:$0x2];
	[sflag:s3] =	ssyncset.done $0x0  }
.LBB2_2:
0x6d: {  	[sflag:s3] =	ssyncadd.s32 $0xFFFE7000  }
0x6e: {  	[tilespmem:s2], [sflag:$0x2] =	stream.linear.gather [hbm4b:s1+s2], $0x800, $0x38;
	[tilespmem:$0x19800] =	vst v63  }
0x6f: {  	_ =	swait.ge [sflag:s3], $0x800  }
0x70: {  	[sflag:s3] =	ssyncset.done $0x0  }
0x71: {  	[sflag:s3] =	ssyncadd.s32 $0xFFFFF800  }
0x72: {  	[tilespmem:s5], [sflag:$0x1] =	stream.indirect.gather [hbm4b:s6+s8], $0x80, s2, s8, $0xb8;
	[tilespmem:$0x19800] =	vst v63  }
0x73: {  	_ = 	snop  }
0x74: {  	[tilespmem:s9], [sflag:$0x1] =	stream.indirect.gather [hbm4b:s6+s8], $0x80, s24, s8, $0xb8;
	[tilespmem:$0x19800] =	vst v63  }
0x75: {  	_ = 	snop  }
0x76: {  	[tilespmem:s10], [sflag:$0x1] =	stream.indirect.gather [hbm4b:s6+s8], $0x80, s25, s8, $0xb8;
	[tilespmem:$0x19800] =	vst v63  }
0x77: {  	_ = 	snop  }
0x78: {  	[tilespmem:s11], [sflag:$0x1] =	stream.indirect.gather [hbm4b:s6+s8], $0x80, s26, s8, $0xb8;
	[tilespmem:$0x19800] =	vst v63  }
0x79: {  	_ = 	snop  }
0x7a: {  	[tilespmem:s12], [sflag:$0x1] =	stream.indirect.gather [hbm4b:s6+s8], $0x80, s28, s8, $0xb8;
	[tilespmem:$0x19800] =	vst v63  }
0x7b: {  	_ = 	snop  }
0x7c: {  	[tilespmem:s13], [sflag:$0x1] =	stream.indirect.gather [hbm4b:s6+s8], $0x80, s29, s8, $0xb8;
	[tilespmem:$0x19800] =	vst v63  }
0x7d: {  	_ = 	snop  }
0x7e: {  	[tilespmem:s14], [sflag:$0x1] =	stream.indirect.gather [hbm4b:s6+s8], $0x80, s30, s8, $0xb8;
	[tilespmem:$0x19800] =	vst v63  }
0x7f: {  	_ = 	snop  }
0x80: {  	[tilespmem:s15], [sflag:$0x1] =	stream.indirect.gather [hbm4b:s6+s8], $0x80, s31, s8, $0xb8;
	[tilespmem:$0x19800] =	vst v63  }
0x81: {  	_ =	swait.ge [sflag:s7], $0x3200  }
0x82: {  	[sflag:s7] =	ssyncset.done $0x0  }
0x83: {  	[sflag:s7] =	ssyncadd.s32 $0xFFFFCE00  }
0x84: {  	_ =	swait.ge [sflag:s7], $0x3200  }
0x85: {  	[sflag:s7] =	ssyncset.done $0x0  }
0x86: {  	[sflag:s7] =	ssyncadd.s32 $0xFFFFCE00  }
0x87: {  	_ =	swait.ge [sflag:s7], $0x3200  }
0x88: {  	[sflag:s7] =	ssyncset.done $0x0  }
0x89: {  	[sflag:s7] =	ssyncadd.s32 $0xFFFFCE00  }
0x8a: {  	_ =	swait.ge [sflag:s7], $0x3200  }
0x8b: {  	[sflag:s7] =	ssyncset.done $0x0  }
0x8c: {  	[sflag:s7] =	ssyncadd.s32 $0xFFFFCE00  }
0x8d: {  	_ =	swait.ge [sflag:s7], $0x3200  }
0x8e: {  	[sflag:s7] =	ssyncset.done $0x0  }
0x8f: {  	[sflag:s7] =	ssyncadd.s32 $0xFFFFCE00  }
0x90: {  	_ =	swait.ge [sflag:s7], $0x3200  }
0x91: {  	[sflag:s7] =	ssyncset.done $0x0  }
0x92: {  	[sflag:s7] =	ssyncadd.s32 $0xFFFFCE00  }
0x93: {  	_ =	swait.ge [sflag:s7], $0x3200  }
0x94: {  	[sflag:s7] =	ssyncset.done $0x0  }
0x95: {  	[sflag:s7] =	ssyncadd.s32 $0xFFFFCE00  }
0x96: {  	_ =	swait.ge [sflag:s7], $0x3200  }
0x97: {  	[sflag:s7] =	ssyncset.done $0x0  }
0x98: {  	s1 =	rddreg [dreg:$0x3];
	[sflag:s7] =	ssyncadd.s32 $0xFFFFCE00  }
0x99: {  	[hbm4b:s1+s2] =	stream.linear.scatter [tilespmem:s5], [sflag:$0x2], $0x19000, $0x38;
	[tilespmem:$0x19800] =	vst v63  }
0x9a: {  	_ =	swait.ge [sflag:s3], $0x19000  }
0x9b: {  	[sflag:s3] =	ssyncset.done $0x0  }
0x9c: {  	[sflag:s3] =	ssyncadd.s32 $0xFFFE7000  }
0x9d: {  	[tilespmem:s5], [sflag:$0x1] =	stream.indirect.gather [hbm4b:s6+s8], $0x80, s16, s8, $0xb8;
	[tilespmem:$0x19800] =	vst v63  }
0x9e: {  	_ = 	snop  }
0x9f: {  	[tilespmem:s9], [sflag:$0x1] =	stream.indirect.gather [hbm4b:s6+s8], $0x80, s17, s8, $0xb8;
	[tilespmem:$0x19800] =	vst v63  }
0xa0: {  	_ = 	snop  }
0xa1: {  	[tilespmem:s10], [sflag:$0x1] =	stream.indirect.gather [hbm4b:s6+s8], $0x80, s18, s8, $0xb8;
	[tilespmem:$0x19800] =	vst v63  }
0xa2: {  	_ = 	snop  }
0xa3: {  	[tilespmem:s11], [sflag:$0x1] =	stream.indirect.gather [hbm4b:s6+s8], $0x80, s19, s8, $0xb8;
	[tilespmem:$0x19800] =	vst v63  }
0xa4: {  	_ = 	snop  }
0xa5: {  	[tilespmem:s12], [sflag:$0x1] =	stream.indirect.gather [hbm4b:s6+s8], $0x80, s20, s8, $0xb8;
	[tilespmem:$0x19800] =	vst v63  }
0xa6: {  	_ = 	snop  }
0xa7: {  	[tilespmem:s13], [sflag:$0x1] =	stream.indirect.gather [hbm4b:s6+s8], $0x80, s21, s8, $0xb8;
	[tilespmem:$0x19800] =	vst v63  }
0xa8: {  	_ = 	snop  }
0xa9: {  	[tilespmem:s14], [sflag:$0x1] =	stream.indirect.gather [hbm4b:s6+s8], $0x80, s22, s8, $0xb8;
	[tilespmem:$0x19800] =	vst v63  }
0xaa: {  	_ = 	snop  }
0xab: {  	[tilespmem:s15], [sflag:$0x1] =	stream.indirect.gather [hbm4b:s6+s8], $0x80, s23, s8, $0xb8;
	[tilespmem:$0x19800] =	vst v63  }
0xac: {  	_ =	swait.ge [sflag:s7], $0x3200  }
0xad: {  	[sflag:s7] =	ssyncset.done $0x0  }
0xae: {  	[sflag:s7] =	ssyncadd.s32 $0xFFFFCE00  }
0xaf: {  	_ =	swait.ge [sflag:s7], $0x3200  }
0xb0: {  	[sflag:s7] =	ssyncset.done $0x0  }
0xb1: {  	[sflag:s7] =	ssyncadd.s32 $0xFFFFCE00  }
0xb2: {  	_ =	swait.ge [sflag:s7], $0x3200  }
0xb3: {  	[sflag:s7] =	ssyncset.done $0x0  }
0xb4: {  	[sflag:s7] =	ssyncadd.s32 $0xFFFFCE00  }
0xb5: {  	_ =	swait.ge [sflag:s7], $0x3200  }
0xb6: {  	[sflag:s7] =	ssyncset.done $0x0  }
0xb7: {  	[sflag:s7] =	ssyncadd.s32 $0xFFFFCE00  }
0xb8: {  	_ =	swait.ge [sflag:s7], $0x3200  }
0xb9: {  	[sflag:s7] =	ssyncset.done $0x0  }
0xba: {  	[sflag:s7] =	ssyncadd.s32 $0xFFFFCE00  }
0xbb: {  	_ =	swait.ge [sflag:s7], $0x3200  }
0xbc: {  	[sflag:s7] =	ssyncset.done $0x0  }
0xbd: {  	[sflag:s7] =	ssyncadd.s32 $0xFFFFCE00  }
0xbe: {  	_ =	swait.ge [sflag:s7], $0x3200  }
0xbf: {  	[sflag:s7] =	ssyncset.done $0x0  }
0xc0: {  	[sflag:s7] =	ssyncadd.s32 $0xFFFFCE00  }
0xc1: {  	p1 =	sne.s32 s0, $0x1;
	_ =	swait.ge [sflag:s7], $0x3200  }
.Ltmp2:
0xc2: {  	[sflag:s7] =	ssyncset.done $0x0;
	(pc) =	sbr.rel @p1 .LBB2_2-.Ltmp2, $4  }
0xc3: {  	[sflag:s7] =	ssyncadd.s32 $0xFFFFCE00  }
0xc4: {  	[hbm4b:s4+s2] =	stream.linear.scatter [tilespmem:s5], [sflag:$0x2], $0x19000, $0x38;
	[tilespmem:$0x19800] =	vst v63  }
0xc5: {  	_ =	swait.ge [sflag:s3], $0x19000  }
0xc6: {  	s0 =	sadd.s32 $0xFFFFFFFF, s0;
	s1 =	rddreg [dreg:$0x2];
	[sflag:s3] =	ssyncset.done $0x0  }
.LBB2_3:
0xc7: {  	[sflag:s3] =	ssyncadd.s32 @p0 $0xFFFE7000  }
0xc8: {  	[tilespmem:s2], [sflag:$0x2] =	stream.linear.gather [hbm4b:s1+s2], $0x800, $0x38;
	[tilespmem:$0x19800] =	vst v63  }
0xc9: {  	_ =	swait.ge [sflag:s3], $0x800  }
0xca: {  	[sflag:s3] =	ssyncset.done $0x0  }
0xcb: {  	[sflag:s3] =	ssyncadd.s32 $0xFFFFF800  }
0xcc: {  	[tilespmem:s5], [sflag:$0x1] =	stream.indirect.gather [hbm4b:s6+s8], $0x80, s2, s8, $0xb8;
	[tilespmem:$0x19800] =	vst v63  }
0xcd: {  	_ = 	snop  }
0xce: {  	[tilespmem:s9], [sflag:$0x1] =	stream.indirect.gather [hbm4b:s6+s8], $0x80, s24, s8, $0xb8;
	[tilespmem:$0x19800] =	vst v63  }
0xcf: {  	_ = 	snop  }
0xd0: {  	[tilespmem:s10], [sflag:$0x1] =	stream.indirect.gather [hbm4b:s6+s8], $0x80, s25, s8, $0xb8;
	[tilespmem:$0x19800] =	vst v63  }
0xd1: {  	_ = 	snop  }
0xd2: {  	[tilespmem:s11], [sflag:$0x1] =	stream.indirect.gather [hbm4b:s6+s8], $0x80, s26, s8, $0xb8;
	[tilespmem:$0x19800] =	vst v63  }
0xd3: {  	_ = 	snop  }
0xd4: {  	[tilespmem:s12], [sflag:$0x1] =	stream.indirect.gather [hbm4b:s6+s8], $0x80, s28, s8, $0xb8;
	[tilespmem:$0x19800] =	vst v63  }
0xd5: {  	_ = 	snop  }
0xd6: {  	[tilespmem:s13], [sflag:$0x1] =	stream.indirect.gather [hbm4b:s6+s8], $0x80, s29, s8, $0xb8;
	[tilespmem:$0x19800] =	vst v63  }
0xd7: {  	_ = 	snop  }
0xd8: {  	[tilespmem:s14], [sflag:$0x1] =	stream.indirect.gather [hbm4b:s6+s8], $0x80, s30, s8, $0xb8;
	[tilespmem:$0x19800] =	vst v63  }
0xd9: {  	_ = 	snop  }
0xda: {  	[tilespmem:s15], [sflag:$0x1] =	stream.indirect.gather [hbm4b:s6+s8], $0x80, s31, s8, $0xb8;
	[tilespmem:$0x19800] =	vst v63  }
0xdb: {  	_ =	swait.ge [sflag:s7], $0x3200  }
0xdc: {  	[sflag:s7] =	ssyncset.done $0x0  }
0xdd: {  	[sflag:s7] =	ssyncadd.s32 $0xFFFFCE00  }
0xde: {  	_ =	swait.ge [sflag:s7], $0x3200  }
0xdf: {  	[sflag:s7] =	ssyncset.done $0x0  }
0xe0: {  	[sflag:s7] =	ssyncadd.s32 $0xFFFFCE00  }
0xe1: {  	_ =	swait.ge [sflag:s7], $0x3200  }
0xe2: {  	[sflag:s7] =	ssyncset.done $0x0  }
0xe3: {  	[sflag:s7] =	ssyncadd.s32 $0xFFFFCE00  }
0xe4: {  	_ =	swait.ge [sflag:s7], $0x3200  }
0xe5: {  	[sflag:s7] =	ssyncset.done $0x0  }
0xe6: {  	[sflag:s7] =	ssyncadd.s32 $0xFFFFCE00  }
0xe7: {  	_ =	swait.ge [sflag:s7], $0x3200  }
0xe8: {  	[sflag:s7] =	ssyncset.done $0x0  }
0xe9: {  	[sflag:s7] =	ssyncadd.s32 $0xFFFFCE00  }
0xea: {  	_ =	swait.ge [sflag:s7], $0x3200  }
0xeb: {  	[sflag:s7] =	ssyncset.done $0x0  }
0xec: {  	[sflag:s7] =	ssyncadd.s32 $0xFFFFCE00  }
0xed: {  	_ =	swait.ge [sflag:s7], $0x3200  }
0xee: {  	[sflag:s7] =	ssyncset.done $0x0  }
0xef: {  	[sflag:s7] =	ssyncadd.s32 $0xFFFFCE00  }
0xf0: {  	_ =	swait.ge [sflag:s7], $0x3200  }
0xf1: {  	[sflag:s7] =	ssyncset.done $0x0  }
0xf2: {  	s0 =	rddreg [dreg:$0x3];
	[sflag:s7] =	ssyncadd.s32 $0xFFFFCE00  }
0xf3: {  	[hbm4b:s0+s2] =	stream.linear.scatter [tilespmem:s5], [sflag:$0x2], $0x19000, $0x38;
	[tilespmem:$0x19800] =	vst v63  }
0xf4: {  	_ =	swait.ge [sflag:s3], $0x19000  }
0xf5: {  	[sflag:s3] =	ssyncset.done $0x0  }
0xf6: {  	[sflag:s3] =	ssyncadd.s32 $0xFFFE7000  }
0xf7: {  	[tilespmem:s5], [sflag:$0x1] =	stream.indirect.gather [hbm4b:s6+s8], $0x80, s16, s8, $0xb8;
	[tilespmem:$0x19800] =	vst v63  }
0xf8: {  	_ = 	snop  }
0xf9: {  	[tilespmem:s9], [sflag:$0x1] =	stream.indirect.gather [hbm4b:s6+s8], $0x80, s17, s8, $0xb8;
	[tilespmem:$0x19800] =	vst v63  }
0xfa: {  	_ = 	snop  }
0xfb: {  	[tilespmem:s10], [sflag:$0x1] =	stream.indirect.gather [hbm4b:s6+s8], $0x80, s18, s8, $0xb8;
	[tilespmem:$0x19800] =	vst v63  }
0xfc: {  	_ = 	snop  }
0xfd: {  	[tilespmem:s11], [sflag:$0x1] =	stream.indirect.gather [hbm4b:s6+s8], $0x80, s19, s8, $0xb8;
	[tilespmem:$0x19800] =	vst v63  }
0xfe: {  	_ = 	snop  }
0xff: {  	[tilespmem:s12], [sflag:$0x1] =	stream.indirect.gather [hbm4b:s6+s8], $0x80, s20, s8, $0xb8;
	[tilespmem:$0x19800] =	vst v63  }
0x100: {  	_ = 	snop  }
0x101: {  	[tilespmem:s13], [sflag:$0x1] =	stream.indirect.gather [hbm4b:s6+s8], $0x80, s21, s8, $0xb8;
	[tilespmem:$0x19800] =	vst v63  }
0x102: {  	_ = 	snop  }
0x103: {  	[tilespmem:s14], [sflag:$0x1] =	stream.indirect.gather [hbm4b:s6+s8], $0x80, s22, s8, $0xb8;
	[tilespmem:$0x19800] =	vst v63  }
0x104: {  	_ = 	snop  }
0x105: {  	[tilespmem:s15], [sflag:$0x1] =	stream.indirect.gather [hbm4b:s6+s8], $0x80, s23, s8, $0xb8;
	[tilespmem:$0x19800] =	vst v63  }
0x106: {  	_ =	swait.ge [sflag:s7], $0x3200  }
0x107: {  	[sflag:s7] =	ssyncset.done $0x0  }
0x108: {  	[sflag:s7] =	ssyncadd.s32 $0xFFFFCE00  }
0x109: {  	_ =	swait.ge [sflag:s7], $0x3200  }
0x10a: {  	[sflag:s7] =	ssyncset.done $0x0  }
0x10b: {  	[sflag:s7] =	ssyncadd.s32 $0xFFFFCE00  }
0x10c: {  	_ =	swait.ge [sflag:s7], $0x3200  }
0x10d: {  	[sflag:s7] =	ssyncset.done $0x0  }
0x10e: {  	[sflag:s7] =	ssyncadd.s32 $0xFFFFCE00  }
0x10f: {  	_ =	swait.ge [sflag:s7], $0x3200  }
0x110: {  	[sflag:s7] =	ssyncset.done $0x0  }
0x111: {  	[sflag:s7] =	ssyncadd.s32 $0xFFFFCE00  }
0x112: {  	_ =	swait.ge [sflag:s7], $0x3200  }
0x113: {  	[sflag:s7] =	ssyncset.done $0x0  }
0x114: {  	[sflag:s7] =	ssyncadd.s32 $0xFFFFCE00  }
0x115: {  	_ =	swait.ge [sflag:s7], $0x3200  }
0x116: {  	[sflag:s7] =	ssyncset.done $0x0  }
0x117: {  	[sflag:s7] =	ssyncadd.s32 $0xFFFFCE00  }
0x118: {  	_ =	swait.ge [sflag:s7], $0x3200  }
0x119: {  	[sflag:s7] =	ssyncset.done $0x0  }
0x11a: {  	[sflag:s7] =	ssyncadd.s32 $0xFFFFCE00  }
0x11b: {  	_ =	swait.ge [sflag:s7], $0x3200  }
0x11c: {  	[sflag:s7] =	ssyncset.done $0x0  }
0x11d: {  	[sflag:s7] =	ssyncadd.s32 $0xFFFFCE00  }
0x11e: {  	[hbm4b:s4+s2] =	stream.linear.scatter [tilespmem:s5], [sflag:$0x2], $0x19000, $0x38;
	[tilespmem:$0x19800] =	vst v63  }
0x11f: {  	_ =	swait.ge [sflag:s3], $0x19000  }
0x120: {  	[sflag:s3] =	ssyncset.done $0x0  }
0x121: {  	[sflag:s3] =	ssyncadd.s32 $0xFFFE7000  }
0x122: {  	_ =	sfence.sel $0x180000  }
0x123: {  	[bflag:$0x0] =	sbarrier.arrive $0xFFFF  }
0x124: {  	_ =	strace $0x90000047  }
0x125: {  	s31 =	stileid.u32;
	[bflag:$0x2] =	sbarrier.arrive $0xFFFF  }
0x126: {  	p0 =	sne.s32 s31, $0x0;
	s0 =	rddreg [dreg:$0x1]  }
0x127: {  	s0 =	sadd.s32 @!p0 $0x100000, s0  }
0x128: {  	[sflag:s0] =	ssyncadd.tile.s32 @!p0 $0x1;
	_ =	shalt  }
.Lfunc_end2:
_tile_overlayer_lowered:
.L_overlay_start_2:
0x129: {  	(tag) =	ssettag $0x2  }
0x12a: {  	s0 =	rddreg [dreg:$0x0];
	s2 =	stileid.u32  }
0x12b: {  	s1 =	rddreg [dreg:$0x1];
	p0 =	sne.s32 s2, $0x0  }
0x12c: {  	s3 =	rddreg [dreg:$0x2];
	[bflag:$0x3] =	sbarrier.arrive $0xFFFF;
	s2 =	simm.s32 @!p0 $0x1C02  }
0x12d: {  	[timem:s3], [sflag:s2] =	dma.local @!p0 [hbm:s0], s1  }
0x12e: {  	s0 =	simm.s32 @!p0 $0x2  }
0x12f: {  	_ =	swait.ge @!p0 [sflag:s0], s1  }
0x130: {  	s1 =	ssub.s32 @!p0 $0x0, s1;
	[sflag:s0] =	ssyncset.done @!p0 $0x0  }
0x131: {  	[sflag:s0] =	ssyncadd.s32 @!p0 s1  }
0x132: {  	[bflag:$0x3] =	sbarrier.arrive $0xFFFF  }
0x133: {  	_ =	shalt  }

</sc_bundles>
